<compile_context>
chip_gen: v7x
topology: tpu7x:2x2x1
jax: 0.10.2.dev20260603
libtpu: 0.0.44.dev20260713+nightly
codegen_flags: <defaults>
</compile_context>

<pallas_src>
import jax
import jax.numpy as jnp
from jax import lax
from jax.experimental import pallas as pl
from jax.experimental.pallas import tpu as pltpu
from jax.experimental.pallas import tpu_sc as plsc

B = 16384
NC = 2
NS = 16
NW = NC * NS
BPW = B // NW
NIDX = BPW // 128
NPASS = 2
PB = BPW // NPASS
PIDX = NIDX // NPASS


def _gather_wp_body(idw_h, idp_h, ew_h, ep_h, ow_h, op_h,
                    idw_v, idp_v, bw_v, bp_v, sw, sp):
    wid = lax.axis_index("s") * NC + lax.axis_index("c")
    base = wid * BPW
    pltpu.sync_copy(idw_h.at[wid], idw_v)
    pltpu.sync_copy(idp_h.at[wid], idp_v)
    for p in range(NPASS):
        ds = []
        for j in range(PIDX):
            r = p * PIDX + j
            ds.append(pltpu.async_copy(ew_h.at[idw_v.at[r]],
                                       bw_v.at[pl.ds(j * 128, 128)], sw))
            ds.append(pltpu.async_copy(ep_h.at[idp_v.at[r]],
                                       bp_v.at[pl.ds(j * 128, 128)], sp))
        for d in ds:
            d.wait()
        off = base + p * PB
        pltpu.sync_copy(bw_v, ow_h.at[pl.ds(off, PB)])
        pltpu.sync_copy(bp_v, op_h.at[pl.ds(off, PB)])


def _gather_a_body(ida_h, ea_h, oa_h, ida_v, ba_v, sa):
    wid = lax.axis_index("s") * NC + lax.axis_index("c")
    base = wid * BPW
    pltpu.sync_copy(ida_h.at[wid], ida_v)
    ds = []
    for j in range(NIDX):
        ds.append(pltpu.async_copy(ea_h.at[ida_v.at[j]],
                                   ba_v.at[pl.ds(j * 128, 128)], sa))
    for d in ds:
        d.wait()
    pltpu.sync_copy(ba_v, oa_h.at[pl.ds(base, BPW)])


_MESH = plsc.VectorSubcoreMesh(core_axis_name="c", subcore_axis_name="s")


def _sc_gather_wp(idw, idp, E_work, E_pub2):
    k = pl.kernel(
        _gather_wp_body,
        mesh=_MESH,
        out_type=[
            jax.ShapeDtypeStruct((B, 128), jnp.float32),
            jax.ShapeDtypeStruct((B, 128), jnp.float32),
        ],
        scratch_types=[
            pltpu.VMEM((NIDX, 128), jnp.int32),
            pltpu.VMEM((NIDX, 128), jnp.int32),
            pltpu.VMEM((PB, 128), jnp.float32),
            pltpu.VMEM((PB, 128), jnp.float32),
            pltpu.SemaphoreType.DMA,
            pltpu.SemaphoreType.DMA,
        ],
    )
    return k(idw, idp, E_work, E_pub2)


def _sc_gather_a(ida, E_auth2):
    k = pl.kernel(
        _gather_a_body,
        mesh=_MESH,
        out_type=jax.ShapeDtypeStruct((B, 128), jnp.float32),
        scratch_types=[
            pltpu.VMEM((NIDX, 128), jnp.int32),
            pltpu.VMEM((BPW, 128), jnp.float32),
            pltpu.SemaphoreType.DMA,
        ],
    )
    return k(ida, E_auth2)


BM = 2048
SUB = BM // 128


def _mlp_body(gw, ga2, gp2, pa, ti, ey,
              w0, b0, w1, b1, w2, b2, w3, b3, w4, b4, out):
    row = lax.broadcasted_iota(jnp.int32, (BM, 1), 0)
    oh_sub = (lax.broadcasted_iota(jnp.int32, (BM, SUB), 1)
              == row // 128).astype(jnp.float32)
    full = jnp.dot(oh_sub, pa[...], preferred_element_type=jnp.float32)
    lm = ((lax.broadcasted_iota(jnp.int32, (BM, 128), 1))
          == (row % 128)).astype(jnp.float32)
    yp_r = jnp.dot(full * lm, jnp.ones((128, 8), jnp.float32),
                   preferred_element_type=jnp.float32)[:, 0:1]

    bf = jnp.bfloat16

    def bdot(a, b):
        return jnp.dot(a.astype(bf), b.astype(bf),
                       preferred_element_type=jnp.float32)

    oh_y = (yp_r == lax.broadcasted_iota(jnp.int32, (BM, 32), 1).astype(jnp.float32))
    gy = jnp.dot(oh_y[:, 0:20].astype(jnp.float32), ey[...],
                 preferred_element_type=jnp.float32)
    x = jnp.concatenate([gw[...], ga2[:, 0:64], gp2[:, 0:64], gy, ti[...]],
                        axis=1)
    h = jnp.maximum(bdot(x, w0[...]) + b0[...], 0.0)
    h = jnp.maximum(bdot(h, w1[...]) + b1[...], 0.0)
    h = jnp.maximum(bdot(h, w2[...]) + b2[...], 0.0)
    h = jnp.maximum(bdot(h, w3[...]) + b3[...], 0.0)
    out[...] = bdot(h, w4[...]) + b4[...]


def _tc_mlp(gw, ga2, gp2, pa, title, E_yop,
            W0, b0, W1, b1, W2, b2, W3, b3, W4, b4):
    grid = (B // BM,)
    bs_row = lambda d: pl.BlockSpec((BM, d), lambda i: (i, 0))
    bs_sub = pl.BlockSpec((SUB, 128), lambda i: (i, 0))
    bs_full = lambda s: pl.BlockSpec(s, lambda i: tuple(0 for _ in s))
    return pl.pallas_call(
        _mlp_body,
        grid=grid,
        in_specs=[
            bs_row(128), bs_row(128), bs_row(128),
            bs_sub, bs_row(384),
            bs_full((20, 32)),
            bs_full((672, 256)), bs_full((1, 256)),
            bs_full((256, 256)), bs_full((1, 256)),
            bs_full((256, 256)), bs_full((1, 256)),
            bs_full((256, 256)), bs_full((1, 256)),
            bs_full((256, 128)), bs_full((1, 128)),
        ],
        out_specs=bs_row(128),
        out_shape=jax.ShapeDtypeStruct((B, 128), jnp.float32),
    )(gw, ga2, gp2, pa, title, E_yop,
      W0, b0.reshape(1, 256), W1, b1.reshape(1, 256), W2, b2.reshape(1, 256),
      W3, b3.reshape(1, 256), W4, b4.reshape(1, 128))


def kernel(work_id, author, publisher, yop_bin, title_embedding,
           E_work, E_auth, E_pub, E_yop,
           W0, b0, W1, b1, W2, b2, W3, b3, W4, b4):
    idw = work_id.reshape(NW, NIDX, 128)
    ida = author.reshape(NW, NIDX, 128)
    idp = publisher.reshape(NW, NIDX, 128)
    gw, gp2 = _sc_gather_wp(idw, idp, E_work,
                            jnp.pad(E_pub, ((0, 0), (0, 64))))
    ga2 = _sc_gather_a(ida, jnp.pad(E_auth, ((0, 0), (0, 64))))
    pa = yop_bin.astype(jnp.float32).reshape(B // 128, 128)
    return _tc_mlp(gw, ga2, gp2, pa, title_embedding, E_yop,
                   W0, b0, W1, b1, W2, b2, W3, b3, W4, b4)

# --- scband reference (transcript-rebuilt; emitter-appended) ---
"""Pipeline reference for scband-item-tower-10067403342395 (READ-ONLY COPY).

The authoritative reference and input builder live on the scoring server;
editing this copy changes nothing except your own understanding.
"""

import jax, jax.numpy as jnp
import numpy as np

B = 16384
ED = 128
TITLE_D = 384
MLP_IN = ED + (ED // 2) * 2 + (ED // 4) + TITLE_D  # 672


def setup_inputs(seed: int = 0) -> dict:
    key = jax.random.key(seed)
    ks = jax.random.split(key, 20)
    inp = {}
    inp['work_id'] = jax.random.randint(ks[0], (B,), 0, 1000000)
    inp['author'] = jax.random.randint(ks[1], (B,), 0, 100000)
    inp['publisher'] = jax.random.randint(ks[2], (B,), 0, 1000)
    inp['yop_bin'] = jax.random.randint(ks[3], (B,), 0, 20)
    inp['title_embedding'] = jax.random.normal(ks[4], (B, TITLE_D), dtype=jnp.float32)
    # learned parameters
    inp['E_work'] = jax.random.normal(ks[5], (1000000, ED), dtype=jnp.float32) * 0.02
    inp['E_auth'] = jax.random.normal(ks[6], (100000, ED // 2), dtype=jnp.float32) * 0.02
    inp['E_pub'] = jax.random.normal(ks[7], (1000, ED // 2), dtype=jnp.float32) * 0.02
    inp['E_yop'] = jax.random.normal(ks[8], (20, ED // 4), dtype=jnp.float32) * 0.02
    dims = [MLP_IN, 256, 256, 256, 256, ED]
    for i in range(5):
        inp[f'W{i}'] = jax.random.normal(ks[9 + i], (dims[i], dims[i + 1]), dtype=jnp.float32) * (1.0 / np.sqrt(dims[i]))
        inp[f'b{i}'] = jnp.zeros((dims[i + 1],), dtype=jnp.float32)
    return inp


def reference(work_id, author, publisher, yop_bin, title_embedding,
              E_work, E_auth, E_pub, E_yop,
              W0, b0, W1, b1, W2, b2, W3, b3, W4, b4):
    x = jnp.concatenate([
        jnp.take(E_work, work_id, axis=0),
        jnp.take(E_auth, author, axis=0),
        jnp.take(E_pub, publisher, axis=0),
        jnp.take(E_yop, yop_bin, axis=0),
        title_embedding,
    ], axis=1)
    h = x
    for (W, b) in [(W0, b0), (W1, b1), (W2, b2), (W3, b3)]:
        h = jax.nn.relu(h @ W + b)  # dropout is identity in eval
    out = h @ W4 + b4
    return out

if __name__ == "__main__":
    import jax
    _d = setup_inputs()
    print(jax.jit(kernel)(*tuple(_d.values())))

</pallas_src>

<mosaic_0001>
#map = affine_map<(d0, d1) -> (0, 0, 0)>
#map1 = affine_map<(d0, d1) -> (0, 0)>
module attributes {stable_mosaic.version = 14 : i64} {
  func.func @_gather_wp_body(%arg0: i32, %arg1: i32, %arg2: memref<32x4x128xi32, #tpu.memory_space<hbm>>, %arg3: memref<32x4x128xi32, #tpu.memory_space<hbm>>, %arg4: memref<1000000x128xf32, #tpu.memory_space<hbm>>, %arg5: memref<1000x128xf32, #tpu.memory_space<hbm>>, %arg6: memref<16384x128xf32, #tpu.memory_space<hbm>>, %arg7: memref<16384x128xf32, #tpu.memory_space<hbm>>, %arg8: memref<4x128xi32, #tpu.memory_space<vmem>>, %arg9: memref<4x128xi32, #tpu.memory_space<vmem>>, %arg10: memref<256x128xf32, #tpu.memory_space<vmem>>, %arg11: memref<256x128xf32, #tpu.memory_space<vmem>>, %arg12: memref<!tpu.dma_semaphore, #tpu.memory_space<semaphore_mem>>, %arg13: memref<!tpu.dma_semaphore, #tpu.memory_space<semaphore_mem>>) attributes {dimension_semantics = [#tpu.dimension_semantics<core_parallel>, #tpu.dimension_semantics<subcore_parallel>], iteration_bounds = array<i64: 2, 16>, scalar_prefetch = 0 : i64, scratch_operands = 6 : i64, tpu.core_type = #tpu.core_type<sc_vector_subcore>, window_params = [{transform_indices = #map}, {transform_indices = #map}, {transform_indices = #map1}, {transform_indices = #map1}, {transform_indices = #map1}, {transform_indices = #map1}]} {
    %mul3A = arith.constant 2 : i32
    %mul3A_0 = arith.muli %arg1, %mul3A : i32
    %add3A = arith.addi %mul3A_0, %arg0 : i32
    %mul3A_1 = arith.constant 512 : i32
    %mul3A_2 = arith.muli %add3A, %mul3A_1 : i32
    "tpu.region"() ({
      %run_scoped3A = tpu.sem_alloc : memref<!tpu.dma_semaphore, #tpu.memory_space<semaphore_mem>>
      %dma_start3A_165 = arith.constant 0 : i32
      %dma_start3A_166 = arith.constant 0 : i32
      %dma_start3A_167 = tpu.memref_slice %arg2[%add3A, %dma_start3A_165, %dma_start3A_166] : memref<32x4x128xi32, #tpu.memory_space<hbm>> -> memref<1x4x128xi32, #tpu.memory_space<hbm>>
      %dma_start3A_168 = tpu.memref_squeeze %dma_start3A_167 : memref<1x4x128xi32, #tpu.memory_space<hbm>> -> memref<4x128xi32, #tpu.memory_space<hbm>>
      %dma_start3A_169 = arith.constant 0 : i32
      %dma_start3A_170 = arith.constant 0 : i32
      %dma_start3A_171 = tpu.memref_slice %arg2[%add3A, %dma_start3A_169, %dma_start3A_170] : memref<32x4x128xi32, #tpu.memory_space<hbm>> -> memref<1x4x128xi32, #tpu.memory_space<hbm>>
      %dma_start3A_172 = tpu.memref_squeeze %dma_start3A_171 : memref<1x4x128xi32, #tpu.memory_space<hbm>> -> memref<4x128xi32, #tpu.memory_space<hbm>>
      tpu.enqueue_dma source(%dma_start3A_172 : memref<4x128xi32, #tpu.memory_space<hbm>>) target(%arg8 : memref<4x128xi32, #tpu.memory_space<vmem>>) target_semaphore(%run_scoped3A : memref<!tpu.dma_semaphore, #tpu.memory_space<semaphore_mem>>)
      %dma_wait3A_173 = arith.constant 0 : i32
      %dma_wait3A_174 = arith.constant 0 : i32
      %dma_wait3A_175 = tpu.memref_slice %arg2[%add3A, %dma_wait3A_173, %dma_wait3A_174] : memref<32x4x128xi32, #tpu.memory_space<hbm>> -> memref<1x4x128xi32, #tpu.memory_space<hbm>>
      %dma_wait3A_176 = tpu.memref_squeeze %dma_wait3A_175 : memref<1x4x128xi32, #tpu.memory_space<hbm>> -> memref<4x128xi32, #tpu.memory_space<hbm>>
      %dma_wait3A_177 = arith.constant 0 : i32
      %dma_wait3A_178 = arith.constant 0 : i32
      %dma_wait3A_179 = tpu.memref_slice %arg2[%add3A, %dma_wait3A_177, %dma_wait3A_178] : memref<32x4x128xi32, #tpu.memory_space<hbm>> -> memref<1x4x128xi32, #tpu.memory_space<hbm>>
      %dma_wait3A_180 = tpu.memref_squeeze %dma_wait3A_179 : memref<1x4x128xi32, #tpu.memory_space<hbm>> -> memref<4x128xi32, #tpu.memory_space<hbm>>
      tpu.wait_dma2 semaphore(%run_scoped3A : memref<!tpu.dma_semaphore, #tpu.memory_space<semaphore_mem>>) src(%dma_wait3A_180 : memref<4x128xi32, #tpu.memory_space<hbm>>) dst(%arg8 : memref<4x128xi32, #tpu.memory_space<vmem>>)
      tpu.yield
    }) : () -> ()
    "tpu.region"() ({
      %run_scoped3A = tpu.sem_alloc : memref<!tpu.dma_semaphore, #tpu.memory_space<semaphore_mem>>
      %dma_start3A_165 = arith.constant 0 : i32
      %dma_start3A_166 = arith.constant 0 : i32
      %dma_start3A_167 = tpu.memref_slice %arg3[%add3A, %dma_start3A_165, %dma_start3A_166] : memref<32x4x128xi32, #tpu.memory_space<hbm>> -> memref<1x4x128xi32, #tpu.memory_space<hbm>>
      %dma_start3A_168 = tpu.memref_squeeze %dma_start3A_167 : memref<1x4x128xi32, #tpu.memory_space<hbm>> -> memref<4x128xi32, #tpu.memory_space<hbm>>
      %dma_start3A_169 = arith.constant 0 : i32
      %dma_start3A_170 = arith.constant 0 : i32
      %dma_start3A_171 = tpu.memref_slice %arg3[%add3A, %dma_start3A_169, %dma_start3A_170] : memref<32x4x128xi32, #tpu.memory_space<hbm>> -> memref<1x4x128xi32, #tpu.memory_space<hbm>>
      %dma_start3A_172 = tpu.memref_squeeze %dma_start3A_171 : memref<1x4x128xi32, #tpu.memory_space<hbm>> -> memref<4x128xi32, #tpu.memory_space<hbm>>
      tpu.enqueue_dma source(%dma_start3A_172 : memref<4x128xi32, #tpu.memory_space<hbm>>) target(%arg9 : memref<4x128xi32, #tpu.memory_space<vmem>>) target_semaphore(%run_scoped3A : memref<!tpu.dma_semaphore, #tpu.memory_space<semaphore_mem>>)
      %dma_wait3A_173 = arith.constant 0 : i32
      %dma_wait3A_174 = arith.constant 0 : i32
      %dma_wait3A_175 = tpu.memref_slice %arg3[%add3A, %dma_wait3A_173, %dma_wait3A_174] : memref<32x4x128xi32, #tpu.memory_space<hbm>> -> memref<1x4x128xi32, #tpu.memory_space<hbm>>
      %dma_wait3A_176 = tpu.memref_squeeze %dma_wait3A_175 : memref<1x4x128xi32, #tpu.memory_space<hbm>> -> memref<4x128xi32, #tpu.memory_space<hbm>>
      %dma_wait3A_177 = arith.constant 0 : i32
      %dma_wait3A_178 = arith.constant 0 : i32
      %dma_wait3A_179 = tpu.memref_slice %arg3[%add3A, %dma_wait3A_177, %dma_wait3A_178] : memref<32x4x128xi32, #tpu.memory_space<hbm>> -> memref<1x4x128xi32, #tpu.memory_space<hbm>>
      %dma_wait3A_180 = tpu.memref_squeeze %dma_wait3A_179 : memref<1x4x128xi32, #tpu.memory_space<hbm>> -> memref<4x128xi32, #tpu.memory_space<hbm>>
      tpu.wait_dma2 semaphore(%run_scoped3A : memref<!tpu.dma_semaphore, #tpu.memory_space<semaphore_mem>>) src(%dma_wait3A_180 : memref<4x128xi32, #tpu.memory_space<hbm>>) dst(%arg9 : memref<4x128xi32, #tpu.memory_space<vmem>>)
      tpu.yield
    }) : () -> ()
    %dma_start3A = arith.constant 0 : i32
    %dma_start3A_3 = arith.constant 0 : i32
    %dma_start3A_4 = arith.constant 0 : i32
    %dma_start3A_5 = tpu.memref_slice %arg10[%dma_start3A_3, %dma_start3A_4] : memref<256x128xf32, #tpu.memory_space<vmem>> -> memref<128x128xf32, #tpu.memory_space<vmem>>
    %dma_start3A_6 = arith.constant 0 : i32
    %dma_start3A_7 = tpu.memref_slice %arg8[%dma_start3A, %dma_start3A_6] : memref<4x128xi32, #tpu.memory_space<vmem>> -> memref<1x128xi32, #tpu.memory_space<vmem>>
    %dma_start3A_8 = tpu.memref_squeeze %dma_start3A_7 : memref<1x128xi32, #tpu.memory_space<vmem>> -> memref<128xi32, #tpu.memory_space<vmem>>
    %dma_start3A_9 = arith.constant 0 : i32
    %dma_start3A_10 = arith.constant 0 : i32
    %dma_start3A_11 = tpu.memref_slice %arg4[%dma_start3A_9, %dma_start3A_10] : memref<1000000x128xf32, #tpu.memory_space<hbm>> -> memref<1000000x128xf32, #tpu.memory_space<hbm>>
    tpu.enqueue_indirect_dma source(%dma_start3A_11 : memref<1000000x128xf32, #tpu.memory_space<hbm>>) target(%dma_start3A_5 : memref<128x128xf32, #tpu.memory_space<vmem>>) offsets(%dma_start3A_8 : memref<128xi32, #tpu.memory_space<vmem>>) semaphore(%arg12 : memref<!tpu.dma_semaphore, #tpu.memory_space<semaphore_mem>>)
    %dma_start3A_12 = arith.constant 0 : i32
    %dma_start3A_13 = arith.constant 0 : i32
    %dma_start3A_14 = arith.constant 0 : i32
    %dma_start3A_15 = tpu.memref_slice %arg11[%dma_start3A_13, %dma_start3A_14] : memref<256x128xf32, #tpu.memory_space<vmem>> -> memref<128x128xf32, #tpu.memory_space<vmem>>
    %dma_start3A_16 = arith.constant 0 : i32
    %dma_start3A_17 = tpu.memref_slice %arg9[%dma_start3A_12, %dma_start3A_16] : memref<4x128xi32, #tpu.memory_space<vmem>> -> memref<1x128xi32, #tpu.memory_space<vmem>>
    %dma_start3A_18 = tpu.memref_squeeze %dma_start3A_17 : memref<1x128xi32, #tpu.memory_space<vmem>> -> memref<128xi32, #tpu.memory_space<vmem>>
    %dma_start3A_19 = arith.constant 0 : i32
    %dma_start3A_20 = arith.constant 0 : i32
    %dma_start3A_21 = tpu.memref_slice %arg5[%dma_start3A_19, %dma_start3A_20] : memref<1000x128xf32, #tpu.memory_space<hbm>> -> memref<1000x128xf32, #tpu.memory_space<hbm>>
    tpu.enqueue_indirect_dma source(%dma_start3A_21 : memref<1000x128xf32, #tpu.memory_space<hbm>>) target(%dma_start3A_15 : memref<128x128xf32, #tpu.memory_space<vmem>>) offsets(%dma_start3A_18 : memref<128xi32, #tpu.memory_space<vmem>>) semaphore(%arg13 : memref<!tpu.dma_semaphore, #tpu.memory_space<semaphore_mem>>)
    %dma_start3A_22 = arith.constant 1 : i32
    %dma_start3A_23 = arith.constant 128 : i32
    %dma_start3A_24 = arith.constant 0 : i32
    %dma_start3A_25 = tpu.memref_slice %arg10[%dma_start3A_23, %dma_start3A_24] : memref<256x128xf32, #tpu.memory_space<vmem>> -> memref<128x128xf32, #tpu.memory_space<vmem>>
    %dma_start3A_26 = arith.constant 0 : i32
    %dma_start3A_27 = tpu.memref_slice %arg8[%dma_start3A_22, %dma_start3A_26] : memref<4x128xi32, #tpu.memory_space<vmem>> -> memref<1x128xi32, #tpu.memory_space<vmem>>
    %dma_start3A_28 = tpu.memref_squeeze %dma_start3A_27 : memref<1x128xi32, #tpu.memory_space<vmem>> -> memref<128xi32, #tpu.memory_space<vmem>>
    %dma_start3A_29 = arith.constant 0 : i32
    %dma_start3A_30 = arith.constant 0 : i32
    %dma_start3A_31 = tpu.memref_slice %arg4[%dma_start3A_29, %dma_start3A_30] : memref<1000000x128xf32, #tpu.memory_space<hbm>> -> memref<1000000x128xf32, #tpu.memory_space<hbm>>
    tpu.enqueue_indirect_dma source(%dma_start3A_31 : memref<1000000x128xf32, #tpu.memory_space<hbm>>) target(%dma_start3A_25 : memref<128x128xf32, #tpu.memory_space<vmem>>) offsets(%dma_start3A_28 : memref<128xi32, #tpu.memory_space<vmem>>) semaphore(%arg12 : memref<!tpu.dma_semaphore, #tpu.memory_space<semaphore_mem>>)
    %dma_start3A_32 = arith.constant 1 : i32
    %dma_start3A_33 = arith.constant 128 : i32
    %dma_start3A_34 = arith.constant 0 : i32
    %dma_start3A_35 = tpu.memref_slice %arg11[%dma_start3A_33, %dma_start3A_34] : memref<256x128xf32, #tpu.memory_space<vmem>> -> memref<128x128xf32, #tpu.memory_space<vmem>>
    %dma_start3A_36 = arith.constant 0 : i32
    %dma_start3A_37 = tpu.memref_slice %arg9[%dma_start3A_32, %dma_start3A_36] : memref<4x128xi32, #tpu.memory_space<vmem>> -> memref<1x128xi32, #tpu.memory_space<vmem>>
    %dma_start3A_38 = tpu.memref_squeeze %dma_start3A_37 : memref<1x128xi32, #tpu.memory_space<vmem>> -> memref<128xi32, #tpu.memory_space<vmem>>
    %dma_start3A_39 = arith.constant 0 : i32
    %dma_start3A_40 = arith.constant 0 : i32
    %dma_start3A_41 = tpu.memref_slice %arg5[%dma_start3A_39, %dma_start3A_40] : memref<1000x128xf32, #tpu.memory_space<hbm>> -> memref<1000x128xf32, #tpu.memory_space<hbm>>
    tpu.enqueue_indirect_dma source(%dma_start3A_41 : memref<1000x128xf32, #tpu.memory_space<hbm>>) target(%dma_start3A_35 : memref<128x128xf32, #tpu.memory_space<vmem>>) offsets(%dma_start3A_38 : memref<128xi32, #tpu.memory_space<vmem>>) semaphore(%arg13 : memref<!tpu.dma_semaphore, #tpu.memory_space<semaphore_mem>>)
    %dma_wait3A = arith.constant 0 : i32
    %dma_wait3A_42 = arith.constant 0 : i32
    %dma_wait3A_43 = arith.constant 0 : i32
    %dma_wait3A_44 = tpu.memref_slice %arg10[%dma_wait3A_42, %dma_wait3A_43] : memref<256x128xf32, #tpu.memory_space<vmem>> -> memref<128x128xf32, #tpu.memory_space<vmem>>
    %dma_wait3A_45 = arith.constant 0 : i32
    %dma_wait3A_46 = tpu.memref_slice %arg8[%dma_wait3A, %dma_wait3A_45] : memref<4x128xi32, #tpu.memory_space<vmem>> -> memref<1x128xi32, #tpu.memory_space<vmem>>
    %dma_wait3A_47 = tpu.memref_squeeze %dma_wait3A_46 : memref<1x128xi32, #tpu.memory_space<vmem>> -> memref<128xi32, #tpu.memory_space<vmem>>
    %dma_wait3A_48 = arith.constant 0 : i32
    %dma_wait3A_49 = arith.constant 0 : i32
    %dma_wait3A_50 = tpu.memref_slice %arg4[%dma_wait3A_48, %dma_wait3A_49] : memref<1000000x128xf32, #tpu.memory_space<hbm>> -> memref<1000000x128xf32, #tpu.memory_space<hbm>>
    tpu.wait_indirect_dma semaphore(%arg12 : memref<!tpu.dma_semaphore, #tpu.memory_space<semaphore_mem>>) src(%dma_wait3A_50 : memref<1000000x128xf32, #tpu.memory_space<hbm>>) dst(%dma_wait3A_44 : memref<128x128xf32, #tpu.memory_space<vmem>>)
    %dma_wait3A_51 = arith.constant 0 : i32
    %dma_wait3A_52 = arith.constant 0 : i32
    %dma_wait3A_53 = arith.constant 0 : i32
    %dma_wait3A_54 = tpu.memref_slice %arg11[%dma_wait3A_52, %dma_wait3A_53] : memref<256x128xf32, #tpu.memory_space<vmem>> -> memref<128x128xf32, #tpu.memory_space<vmem>>
    %dma_wait3A_55 = arith.constant 0 : i32
    %dma_wait3A_56 = tpu.memref_slice %arg9[%dma_wait3A_51, %dma_wait3A_55] : memref<4x128xi32, #tpu.memory_space<vmem>> -> memref<1x128xi32, #tpu.memory_space<vmem>>
    %dma_wait3A_57 = tpu.memref_squeeze %dma_wait3A_56 : memref<1x128xi32, #tpu.memory_space<vmem>> -> memref<128xi32, #tpu.memory_space<vmem>>
    %dma_wait3A_58 = arith.constant 0 : i32
    %dma_wait3A_59 = arith.constant 0 : i32
    %dma_wait3A_60 = tpu.memref_slice %arg5[%dma_wait3A_58, %dma_wait3A_59] : memref<1000x128xf32, #tpu.memory_space<hbm>> -> memref<1000x128xf32, #tpu.memory_space<hbm>>
    tpu.wait_indirect_dma semaphore(%arg13 : memref<!tpu.dma_semaphore, #tpu.memory_space<semaphore_mem>>) src(%dma_wait3A_60 : memref<1000x128xf32, #tpu.memory_space<hbm>>) dst(%dma_wait3A_54 : memref<128x128xf32, #tpu.memory_space<vmem>>)
    %dma_wait3A_61 = arith.constant 1 : i32
    %dma_wait3A_62 = arith.constant 128 : i32
    %dma_wait3A_63 = arith.constant 0 : i32
    %dma_wait3A_64 = tpu.memref_slice %arg10[%dma_wait3A_62, %dma_wait3A_63] : memref<256x128xf32, #tpu.memory_space<vmem>> -> memref<128x128xf32, #tpu.memory_space<vmem>>
    %dma_wait3A_65 = arith.constant 0 : i32
    %dma_wait3A_66 = tpu.memref_slice %arg8[%dma_wait3A_61, %dma_wait3A_65] : memref<4x128xi32, #tpu.memory_space<vmem>> -> memref<1x128xi32, #tpu.memory_space<vmem>>
    %dma_wait3A_67 = tpu.memref_squeeze %dma_wait3A_66 : memref<1x128xi32, #tpu.memory_space<vmem>> -> memref<128xi32, #tpu.memory_space<vmem>>
    %dma_wait3A_68 = arith.constant 0 : i32
    %dma_wait3A_69 = arith.constant 0 : i32
    %dma_wait3A_70 = tpu.memref_slice %arg4[%dma_wait3A_68, %dma_wait3A_69] : memref<1000000x128xf32, #tpu.memory_space<hbm>> -> memref<1000000x128xf32, #tpu.memory_space<hbm>>
    tpu.wait_indirect_dma semaphore(%arg12 : memref<!tpu.dma_semaphore, #tpu.memory_space<semaphore_mem>>) src(%dma_wait3A_70 : memref<1000000x128xf32, #tpu.memory_space<hbm>>) dst(%dma_wait3A_64 : memref<128x128xf32, #tpu.memory_space<vmem>>)
    %dma_wait3A_71 = arith.constant 1 : i32
    %dma_wait3A_72 = arith.constant 128 : i32
    %dma_wait3A_73 = arith.constant 0 : i32
    %dma_wait3A_74 = tpu.memref_slice %arg11[%dma_wait3A_72, %dma_wait3A_73] : memref<256x128xf32, #tpu.memory_space<vmem>> -> memref<128x128xf32, #tpu.memory_space<vmem>>
    %dma_wait3A_75 = arith.constant 0 : i32
    %dma_wait3A_76 = tpu.memref_slice %arg9[%dma_wait3A_71, %dma_wait3A_75] : memref<4x128xi32, #tpu.memory_space<vmem>> -> memref<1x128xi32, #tpu.memory_space<vmem>>
    %dma_wait3A_77 = tpu.memref_squeeze %dma_wait3A_76 : memref<1x128xi32, #tpu.memory_space<vmem>> -> memref<128xi32, #tpu.memory_space<vmem>>
    %dma_wait3A_78 = arith.constant 0 : i32
    %dma_wait3A_79 = arith.constant 0 : i32
    %dma_wait3A_80 = tpu.memref_slice %arg5[%dma_wait3A_78, %dma_wait3A_79] : memref<1000x128xf32, #tpu.memory_space<hbm>> -> memref<1000x128xf32, #tpu.memory_space<hbm>>
    tpu.wait_indirect_dma semaphore(%arg13 : memref<!tpu.dma_semaphore, #tpu.memory_space<semaphore_mem>>) src(%dma_wait3A_80 : memref<1000x128xf32, #tpu.memory_space<hbm>>) dst(%dma_wait3A_74 : memref<128x128xf32, #tpu.memory_space<vmem>>)
    %add3A_81 = arith.constant 0 : i32
    %add3A_82 = arith.addi %mul3A_2, %add3A_81 : i32
    "tpu.region"() ({
      %run_scoped3A = tpu.sem_alloc : memref<!tpu.dma_semaphore, #tpu.memory_space<semaphore_mem>>
      %dma_start3A_165 = arith.constant 0 : i32
      %dma_start3A_166 = tpu.memref_slice %arg6[%add3A_82, %dma_start3A_165] : memref<16384x128xf32, #tpu.memory_space<hbm>> -> memref<256x128xf32, #tpu.memory_space<hbm>>
      %dma_start3A_167 = arith.constant 0 : i32
      %dma_start3A_168 = tpu.memref_slice %arg6[%add3A_82, %dma_start3A_167] : memref<16384x128xf32, #tpu.memory_space<hbm>> -> memref<256x128xf32, #tpu.memory_space<hbm>>
      tpu.enqueue_dma source(%arg10 : memref<256x128xf32, #tpu.memory_space<vmem>>) target(%dma_start3A_168 : memref<256x128xf32, #tpu.memory_space<hbm>>) target_semaphore(%run_scoped3A : memref<!tpu.dma_semaphore, #tpu.memory_space<semaphore_mem>>)
      %dma_wait3A_169 = arith.constant 0 : i32
      %dma_wait3A_170 = tpu.memref_slice %arg6[%add3A_82, %dma_wait3A_169] : memref<16384x128xf32, #tpu.memory_space<hbm>> -> memref<256x128xf32, #tpu.memory_space<hbm>>
      %dma_wait3A_171 = arith.constant 0 : i32
      %dma_wait3A_172 = tpu.memref_slice %arg6[%add3A_82, %dma_wait3A_171] : memref<16384x128xf32, #tpu.memory_space<hbm>> -> memref<256x128xf32, #tpu.memory_space<hbm>>
      tpu.wait_dma2 semaphore(%run_scoped3A : memref<!tpu.dma_semaphore, #tpu.memory_space<semaphore_mem>>) src(%arg10 : memref<256x128xf32, #tpu.memory_space<vmem>>) dst(%dma_wait3A_172 : memref<256x128xf32, #tpu.memory_space<hbm>>)
      tpu.yield
    }) : () -> ()
    "tpu.region"() ({
      %run_scoped3A = tpu.sem_alloc : memref<!tpu.dma_semaphore, #tpu.memory_space<semaphore_mem>>
      %dma_start3A_165 = arith.constant 0 : i32
      %dma_start3A_166 = tpu.memref_slice %arg7[%add3A_82, %dma_start3A_165] : memref<16384x128xf32, #tpu.memory_space<hbm>> -> memref<256x128xf32, #tpu.memory_space<hbm>>
      %dma_start3A_167 = arith.constant 0 : i32
      %dma_start3A_168 = tpu.memref_slice %arg7[%add3A_82, %dma_start3A_167] : memref<16384x128xf32, #tpu.memory_space<hbm>> -> memref<256x128xf32, #tpu.memory_space<hbm>>
      tpu.enqueue_dma source(%arg11 : memref<256x128xf32, #tpu.memory_space<vmem>>) target(%dma_start3A_168 : memref<256x128xf32, #tpu.memory_space<hbm>>) target_semaphore(%run_scoped3A : memref<!tpu.dma_semaphore, #tpu.memory_space<semaphore_mem>>)
      %dma_wait3A_169 = arith.constant 0 : i32
      %dma_wait3A_170 = tpu.memref_slice %arg7[%add3A_82, %dma_wait3A_169] : memref<16384x128xf32, #tpu.memory_space<hbm>> -> memref<256x128xf32, #tpu.memory_space<hbm>>
      %dma_wait3A_171 = arith.constant 0 : i32
      %dma_wait3A_172 = tpu.memref_slice %arg7[%add3A_82, %dma_wait3A_171] : memref<16384x128xf32, #tpu.memory_space<hbm>> -> memref<256x128xf32, #tpu.memory_space<hbm>>
      tpu.wait_dma2 semaphore(%run_scoped3A : memref<!tpu.dma_semaphore, #tpu.memory_space<semaphore_mem>>) src(%arg11 : memref<256x128xf32, #tpu.memory_space<vmem>>) dst(%dma_wait3A_172 : memref<256x128xf32, #tpu.memory_space<hbm>>)
      tpu.yield
    }) : () -> ()
    %dma_start3A_83 = arith.constant 2 : i32
    %dma_start3A_84 = arith.constant 0 : i32
    %dma_start3A_85 = arith.constant 0 : i32
    %dma_start3A_86 = tpu.memref_slice %arg10[%dma_start3A_84, %dma_start3A_85] : memref<256x128xf32, #tpu.memory_space<vmem>> -> memref<128x128xf32, #tpu.memory_space<vmem>>
    %dma_start3A_87 = arith.constant 0 : i32
    %dma_start3A_88 = tpu.memref_slice %arg8[%dma_start3A_83, %dma_start3A_87] : memref<4x128xi32, #tpu.memory_space<vmem>> -> memref<1x128xi32, #tpu.memory_space<vmem>>
    %dma_start3A_89 = tpu.memref_squeeze %dma_start3A_88 : memref<1x128xi32, #tpu.memory_space<vmem>> -> memref<128xi32, #tpu.memory_space<vmem>>
    %dma_start3A_90 = arith.constant 0 : i32
    %dma_start3A_91 = arith.constant 0 : i32
    %dma_start3A_92 = tpu.memref_slice %arg4[%dma_start3A_90, %dma_start3A_91] : memref<1000000x128xf32, #tpu.memory_space<hbm>> -> memref<1000000x128xf32, #tpu.memory_space<hbm>>
    tpu.enqueue_indirect_dma source(%dma_start3A_92 : memref<1000000x128xf32, #tpu.memory_space<hbm>>) target(%dma_start3A_86 : memref<128x128xf32, #tpu.memory_space<vmem>>) offsets(%dma_start3A_89 : memref<128xi32, #tpu.memory_space<vmem>>) semaphore(%arg12 : memref<!tpu.dma_semaphore, #tpu.memory_space<semaphore_mem>>)
    %dma_start3A_93 = arith.constant 2 : i32
    %dma_start3A_94 = arith.constant 0 : i32
    %dma_start3A_95 = arith.constant 0 : i32
    %dma_start3A_96 = tpu.memref_slice %arg11[%dma_start3A_94, %dma_start3A_95] : memref<256x128xf32, #tpu.memory_space<vmem>> -> memref<128x128xf32, #tpu.memory_space<vmem>>
    %dma_start3A_97 = arith.constant 0 : i32
    %dma_start3A_98 = tpu.memref_slice %arg9[%dma_start3A_93, %dma_start3A_97] : memref<4x128xi32, #tpu.memory_space<vmem>> -> memref<1x128xi32, #tpu.memory_space<vmem>>
    %dma_start3A_99 = tpu.memref_squeeze %dma_start3A_98 : memref<1x128xi32, #tpu.memory_space<vmem>> -> memref<128xi32, #tpu.memory_space<vmem>>
    %dma_start3A_100 = arith.constant 0 : i32
    %dma_start3A_101 = arith.constant 0 : i32
    %dma_start3A_102 = tpu.memref_slice %arg5[%dma_start3A_100, %dma_start3A_101] : memref<1000x128xf32, #tpu.memory_space<hbm>> -> memref<1000x128xf32, #tpu.memory_space<hbm>>
    tpu.enqueue_indirect_dma source(%dma_start3A_102 : memref<1000x128xf32, #tpu.memory_space<hbm>>) target(%dma_start3A_96 : memref<128x128xf32, #tpu.memory_space<vmem>>) offsets(%dma_start3A_99 : memref<128xi32, #tpu.memory_space<vmem>>) semaphore(%arg13 : memref<!tpu.dma_semaphore, #tpu.memory_space<semaphore_mem>>)
    %dma_start3A_103 = arith.constant 3 : i32
    %dma_start3A_104 = arith.constant 128 : i32
    %dma_start3A_105 = arith.constant 0 : i32
    %dma_start3A_106 = tpu.memref_slice %arg10[%dma_start3A_104, %dma_start3A_105] : memref<256x128xf32, #tpu.memory_space<vmem>> -> memref<128x128xf32, #tpu.memory_space<vmem>>
    %dma_start3A_107 = arith.constant 0 : i32
    %dma_start3A_108 = tpu.memref_slice %arg8[%dma_start3A_103, %dma_start3A_107] : memref<4x128xi32, #tpu.memory_space<vmem>> -> memref<1x128xi32, #tpu.memory_space<vmem>>
    %dma_start3A_109 = tpu.memref_squeeze %dma_start3A_108 : memref<1x128xi32, #tpu.memory_space<vmem>> -> memref<128xi32, #tpu.memory_space<vmem>>
    %dma_start3A_110 = arith.constant 0 : i32
    %dma_start3A_111 = arith.constant 0 : i32
    %dma_start3A_112 = tpu.memref_slice %arg4[%dma_start3A_110, %dma_start3A_111] : memref<1000000x128xf32, #tpu.memory_space<hbm>> -> memref<1000000x128xf32, #tpu.memory_space<hbm>>
    tpu.enqueue_indirect_dma source(%dma_start3A_112 : memref<1000000x128xf32, #tpu.memory_space<hbm>>) target(%dma_start3A_106 : memref<128x128xf32, #tpu.memory_space<vmem>>) offsets(%dma_start3A_109 : memref<128xi32, #tpu.memory_space<vmem>>) semaphore(%arg12 : memref<!tpu.dma_semaphore, #tpu.memory_space<semaphore_mem>>)
    %dma_start3A_113 = arith.constant 3 : i32
    %dma_start3A_114 = arith.constant 128 : i32
    %dma_start3A_115 = arith.constant 0 : i32
    %dma_start3A_116 = tpu.memref_slice %arg11[%dma_start3A_114, %dma_start3A_115] : memref<256x128xf32, #tpu.memory_space<vmem>> -> memref<128x128xf32, #tpu.memory_space<vmem>>
    %dma_start3A_117 = arith.constant 0 : i32
    %dma_start3A_118 = tpu.memref_slice %arg9[%dma_start3A_113, %dma_start3A_117] : memref<4x128xi32, #tpu.memory_space<vmem>> -> memref<1x128xi32, #tpu.memory_space<vmem>>
    %dma_start3A_119 = tpu.memref_squeeze %dma_start3A_118 : memref<1x128xi32, #tpu.memory_space<vmem>> -> memref<128xi32, #tpu.memory_space<vmem>>
    %dma_start3A_120 = arith.constant 0 : i32
    %dma_start3A_121 = arith.constant 0 : i32
    %dma_start3A_122 = tpu.memref_slice %arg5[%dma_start3A_120, %dma_start3A_121] : memref<1000x128xf32, #tpu.memory_space<hbm>> -> memref<1000x128xf32, #tpu.memory_space<hbm>>
    tpu.enqueue_indirect_dma source(%dma_start3A_122 : memref<1000x128xf32, #tpu.memory_space<hbm>>) target(%dma_start3A_116 : memref<128x128xf32, #tpu.memory_space<vmem>>) offsets(%dma_start3A_119 : memref<128xi32, #tpu.memory_space<vmem>>) semaphore(%arg13 : memref<!tpu.dma_semaphore, #tpu.memory_space<semaphore_mem>>)
    %dma_wait3A_123 = arith.constant 2 : i32
    %dma_wait3A_124 = arith.constant 0 : i32
    %dma_wait3A_125 = arith.constant 0 : i32
    %dma_wait3A_126 = tpu.memref_slice %arg10[%dma_wait3A_124, %dma_wait3A_125] : memref<256x128xf32, #tpu.memory_space<vmem>> -> memref<128x128xf32, #tpu.memory_space<vmem>>
    %dma_wait3A_127 = arith.constant 0 : i32
    %dma_wait3A_128 = tpu.memref_slice %arg8[%dma_wait3A_123, %dma_wait3A_127] : memref<4x128xi32, #tpu.memory_space<vmem>> -> memref<1x128xi32, #tpu.memory_space<vmem>>
    %dma_wait3A_129 = tpu.memref_squeeze %dma_wait3A_128 : memref<1x128xi32, #tpu.memory_space<vmem>> -> memref<128xi32, #tpu.memory_space<vmem>>
    %dma_wait3A_130 = arith.constant 0 : i32
    %dma_wait3A_131 = arith.constant 0 : i32
    %dma_wait3A_132 = tpu.memref_slice %arg4[%dma_wait3A_130, %dma_wait3A_131] : memref<1000000x128xf32, #tpu.memory_space<hbm>> -> memref<1000000x128xf32, #tpu.memory_space<hbm>>
    tpu.wait_indirect_dma semaphore(%arg12 : memref<!tpu.dma_semaphore, #tpu.memory_space<semaphore_mem>>) src(%dma_wait3A_132 : memref<1000000x128xf32, #tpu.memory_space<hbm>>) dst(%dma_wait3A_126 : memref<128x128xf32, #tpu.memory_space<vmem>>)
    %dma_wait3A_133 = arith.constant 2 : i32
    %dma_wait3A_134 = arith.constant 0 : i32
    %dma_wait3A_135 = arith.constant 0 : i32
    %dma_wait3A_136 = tpu.memref_slice %arg11[%dma_wait3A_134, %dma_wait3A_135] : memref<256x128xf32, #tpu.memory_space<vmem>> -> memref<128x128xf32, #tpu.memory_space<vmem>>
    %dma_wait3A_137 = arith.constant 0 : i32
    %dma_wait3A_138 = tpu.memref_slice %arg9[%dma_wait3A_133, %dma_wait3A_137] : memref<4x128xi32, #tpu.memory_space<vmem>> -> memref<1x128xi32, #tpu.memory_space<vmem>>
    %dma_wait3A_139 = tpu.memref_squeeze %dma_wait3A_138 : memref<1x128xi32, #tpu.memory_space<vmem>> -> memref<128xi32, #tpu.memory_space<vmem>>
    %dma_wait3A_140 = arith.constant 0 : i32
    %dma_wait3A_141 = arith.constant 0 : i32
    %dma_wait3A_142 = tpu.memref_slice %arg5[%dma_wait3A_140, %dma_wait3A_141] : memref<1000x128xf32, #tpu.memory_space<hbm>> -> memref<1000x128xf32, #tpu.memory_space<hbm>>
    tpu.wait_indirect_dma semaphore(%arg13 : memref<!tpu.dma_semaphore, #tpu.memory_space<semaphore_mem>>) src(%dma_wait3A_142 : memref<1000x128xf32, #tpu.memory_space<hbm>>) dst(%dma_wait3A_136 : memref<128x128xf32, #tpu.memory_space<vmem>>)
    %dma_wait3A_143 = arith.constant 3 : i32
    %dma_wait3A_144 = arith.constant 128 : i32
    %dma_wait3A_145 = arith.constant 0 : i32
    %dma_wait3A_146 = tpu.memref_slice %arg10[%dma_wait3A_144, %dma_wait3A_145] : memref<256x128xf32, #tpu.memory_space<vmem>> -> memref<128x128xf32, #tpu.memory_space<vmem>>
    %dma_wait3A_147 = arith.constant 0 : i32
    %dma_wait3A_148 = tpu.memref_slice %arg8[%dma_wait3A_143, %dma_wait3A_147] : memref<4x128xi32, #tpu.memory_space<vmem>> -> memref<1x128xi32, #tpu.memory_space<vmem>>
    %dma_wait3A_149 = tpu.memref_squeeze %dma_wait3A_148 : memref<1x128xi32, #tpu.memory_space<vmem>> -> memref<128xi32, #tpu.memory_space<vmem>>
    %dma_wait3A_150 = arith.constant 0 : i32
    %dma_wait3A_151 = arith.constant 0 : i32
    %dma_wait3A_152 = tpu.memref_slice %arg4[%dma_wait3A_150, %dma_wait3A_151] : memref<1000000x128xf32, #tpu.memory_space<hbm>> -> memref<1000000x128xf32, #tpu.memory_space<hbm>>
    tpu.wait_indirect_dma semaphore(%arg12 : memref<!tpu.dma_semaphore, #tpu.memory_space<semaphore_mem>>) src(%dma_wait3A_152 : memref<1000000x128xf32, #tpu.memory_space<hbm>>) dst(%dma_wait3A_146 : memref<128x128xf32, #tpu.memory_space<vmem>>)
    %dma_wait3A_153 = arith.constant 3 : i32
    %dma_wait3A_154 = arith.constant 128 : i32
    %dma_wait3A_155 = arith.constant 0 : i32
    %dma_wait3A_156 = tpu.memref_slice %arg11[%dma_wait3A_154, %dma_wait3A_155] : memref<256x128xf32, #tpu.memory_space<vmem>> -> memref<128x128xf32, #tpu.memory_space<vmem>>
    %dma_wait3A_157 = arith.constant 0 : i32
    %dma_wait3A_158 = tpu.memref_slice %arg9[%dma_wait3A_153, %dma_wait3A_157] : memref<4x128xi32, #tpu.memory_space<vmem>> -> memref<1x128xi32, #tpu.memory_space<vmem>>
    %dma_wait3A_159 = tpu.memref_squeeze %dma_wait3A_158 : memref<1x128xi32, #tpu.memory_space<vmem>> -> memref<128xi32, #tpu.memory_space<vmem>>
    %dma_wait3A_160 = arith.constant 0 : i32
    %dma_wait3A_161 = arith.constant 0 : i32
    %dma_wait3A_162 = tpu.memref_slice %arg5[%dma_wait3A_160, %dma_wait3A_161] : memref<1000x128xf32, #tpu.memory_space<hbm>> -> memref<1000x128xf32, #tpu.memory_space<hbm>>
    tpu.wait_indirect_dma semaphore(%arg13 : memref<!tpu.dma_semaphore, #tpu.memory_space<semaphore_mem>>) src(%dma_wait3A_162 : memref<1000x128xf32, #tpu.memory_space<hbm>>) dst(%dma_wait3A_156 : memref<128x128xf32, #tpu.memory_space<vmem>>)
    %add3A_163 = arith.constant 256 : i32
    %add3A_164 = arith.addi %mul3A_2, %add3A_163 : i32
    "tpu.region"() ({
      %run_scoped3A = tpu.sem_alloc : memref<!tpu.dma_semaphore, #tpu.memory_space<semaphore_mem>>
      %dma_start3A_165 = arith.constant 0 : i32
      %dma_start3A_166 = tpu.memref_slice %arg6[%add3A_164, %dma_start3A_165] : memref<16384x128xf32, #tpu.memory_space<hbm>> -> memref<256x128xf32, #tpu.memory_space<hbm>>
      %dma_start3A_167 = arith.constant 0 : i32
      %dma_start3A_168 = tpu.memref_slice %arg6[%add3A_164, %dma_start3A_167] : memref<16384x128xf32, #tpu.memory_space<hbm>> -> memref<256x128xf32, #tpu.memory_space<hbm>>
      tpu.enqueue_dma source(%arg10 : memref<256x128xf32, #tpu.memory_space<vmem>>) target(%dma_start3A_168 : memref<256x128xf32, #tpu.memory_space<hbm>>) target_semaphore(%run_scoped3A : memref<!tpu.dma_semaphore, #tpu.memory_space<semaphore_mem>>)
      %dma_wait3A_169 = arith.constant 0 : i32
      %dma_wait3A_170 = tpu.memref_slice %arg6[%add3A_164, %dma_wait3A_169] : memref<16384x128xf32, #tpu.memory_space<hbm>> -> memref<256x128xf32, #tpu.memory_space<hbm>>
      %dma_wait3A_171 = arith.constant 0 : i32
      %dma_wait3A_172 = tpu.memref_slice %arg6[%add3A_164, %dma_wait3A_171] : memref<16384x128xf32, #tpu.memory_space<hbm>> -> memref<256x128xf32, #tpu.memory_space<hbm>>
      tpu.wait_dma2 semaphore(%run_scoped3A : memref<!tpu.dma_semaphore, #tpu.memory_space<semaphore_mem>>) src(%arg10 : memref<256x128xf32, #tpu.memory_space<vmem>>) dst(%dma_wait3A_172 : memref<256x128xf32, #tpu.memory_space<hbm>>)
      tpu.yield
    }) : () -> ()
    "tpu.region"() ({
      %run_scoped3A = tpu.sem_alloc : memref<!tpu.dma_semaphore, #tpu.memory_space<semaphore_mem>>
      %dma_start3A_165 = arith.constant 0 : i32
      %dma_start3A_166 = tpu.memref_slice %arg7[%add3A_164, %dma_start3A_165] : memref<16384x128xf32, #tpu.memory_space<hbm>> -> memref<256x128xf32, #tpu.memory_space<hbm>>
      %dma_start3A_167 = arith.constant 0 : i32
      %dma_start3A_168 = tpu.memref_slice %arg7[%add3A_164, %dma_start3A_167] : memref<16384x128xf32, #tpu.memory_space<hbm>> -> memref<256x128xf32, #tpu.memory_space<hbm>>
      tpu.enqueue_dma source(%arg11 : memref<256x128xf32, #tpu.memory_space<vmem>>) target(%dma_start3A_168 : memref<256x128xf32, #tpu.memory_space<hbm>>) target_semaphore(%run_scoped3A : memref<!tpu.dma_semaphore, #tpu.memory_space<semaphore_mem>>)
      %dma_wait3A_169 = arith.constant 0 : i32
      %dma_wait3A_170 = tpu.memref_slice %arg7[%add3A_164, %dma_wait3A_169] : memref<16384x128xf32, #tpu.memory_space<hbm>> -> memref<256x128xf32, #tpu.memory_space<hbm>>
      %dma_wait3A_171 = arith.constant 0 : i32
      %dma_wait3A_172 = tpu.memref_slice %arg7[%add3A_164, %dma_wait3A_171] : memref<16384x128xf32, #tpu.memory_space<hbm>> -> memref<256x128xf32, #tpu.memory_space<hbm>>
      tpu.wait_dma2 semaphore(%run_scoped3A : memref<!tpu.dma_semaphore, #tpu.memory_space<semaphore_mem>>) src(%arg11 : memref<256x128xf32, #tpu.memory_space<vmem>>) dst(%dma_wait3A_172 : memref<256x128xf32, #tpu.memory_space<hbm>>)
      tpu.yield
    }) : () -> ()
    return
  }
}

#map = affine_map<(d0, d1) -> (0, 0, 0)>
#map1 = affine_map<(d0, d1) -> (0, 0)>
module attributes {stable_mosaic.version = 14 : i64} {
  func.func @_gather_a_body(%arg0: i32, %arg1: i32, %arg2: memref<32x4x128xi32, #tpu.memory_space<hbm>>, %arg3: memref<100000x128xf32, #tpu.memory_space<hbm>>, %arg4: memref<16384x128xf32, #tpu.memory_space<hbm>>, %arg5: memref<4x128xi32, #tpu.memory_space<vmem>>, %arg6: memref<512x128xf32, #tpu.memory_space<vmem>>, %arg7: memref<!tpu.dma_semaphore, #tpu.memory_space<semaphore_mem>>) attributes {dimension_semantics = [#tpu.dimension_semantics<core_parallel>, #tpu.dimension_semantics<subcore_parallel>], iteration_bounds = array<i64: 2, 16>, scalar_prefetch = 0 : i64, scratch_operands = 3 : i64, tpu.core_type = #tpu.core_type<sc_vector_subcore>, window_params = [{transform_indices = #map}, {transform_indices = #map1}, {transform_indices = #map1}]} {
    %mul3A = arith.constant 2 : i32
    %mul3A_0 = arith.muli %arg1, %mul3A : i32
    %add3A = arith.addi %mul3A_0, %arg0 : i32
    %mul3A_1 = arith.constant 512 : i32
    %mul3A_2 = arith.muli %add3A, %mul3A_1 : i32
    "tpu.region"() ({
      %run_scoped3A = tpu.sem_alloc : memref<!tpu.dma_semaphore, #tpu.memory_space<semaphore_mem>>
      %dma_start3A_81 = arith.constant 0 : i32
      %dma_start3A_82 = arith.constant 0 : i32
      %dma_start3A_83 = tpu.memref_slice %arg2[%add3A, %dma_start3A_81, %dma_start3A_82] : memref<32x4x128xi32, #tpu.memory_space<hbm>> -> memref<1x4x128xi32, #tpu.memory_space<hbm>>
      %dma_start3A_84 = tpu.memref_squeeze %dma_start3A_83 : memref<1x4x128xi32, #tpu.memory_space<hbm>> -> memref<4x128xi32, #tpu.memory_space<hbm>>
      %dma_start3A_85 = arith.constant 0 : i32
      %dma_start3A_86 = arith.constant 0 : i32
      %dma_start3A_87 = tpu.memref_slice %arg2[%add3A, %dma_start3A_85, %dma_start3A_86] : memref<32x4x128xi32, #tpu.memory_space<hbm>> -> memref<1x4x128xi32, #tpu.memory_space<hbm>>
      %dma_start3A_88 = tpu.memref_squeeze %dma_start3A_87 : memref<1x4x128xi32, #tpu.memory_space<hbm>> -> memref<4x128xi32, #tpu.memory_space<hbm>>
      tpu.enqueue_dma source(%dma_start3A_88 : memref<4x128xi32, #tpu.memory_space<hbm>>) target(%arg5 : memref<4x128xi32, #tpu.memory_space<vmem>>) target_semaphore(%run_scoped3A : memref<!tpu.dma_semaphore, #tpu.memory_space<semaphore_mem>>)
      %dma_wait3A_89 = arith.constant 0 : i32
      %dma_wait3A_90 = arith.constant 0 : i32
      %dma_wait3A_91 = tpu.memref_slice %arg2[%add3A, %dma_wait3A_89, %dma_wait3A_90] : memref<32x4x128xi32, #tpu.memory_space<hbm>> -> memref<1x4x128xi32, #tpu.memory_space<hbm>>
      %dma_wait3A_92 = tpu.memref_squeeze %dma_wait3A_91 : memref<1x4x128xi32, #tpu.memory_space<hbm>> -> memref<4x128xi32, #tpu.memory_space<hbm>>
      %dma_wait3A_93 = arith.constant 0 : i32
      %dma_wait3A_94 = arith.constant 0 : i32
      %dma_wait3A_95 = tpu.memref_slice %arg2[%add3A, %dma_wait3A_93, %dma_wait3A_94] : memref<32x4x128xi32, #tpu.memory_space<hbm>> -> memref<1x4x128xi32, #tpu.memory_space<hbm>>
      %dma_wait3A_96 = tpu.memref_squeeze %dma_wait3A_95 : memref<1x4x128xi32, #tpu.memory_space<hbm>> -> memref<4x128xi32, #tpu.memory_space<hbm>>
      tpu.wait_dma2 semaphore(%run_scoped3A : memref<!tpu.dma_semaphore, #tpu.memory_space<semaphore_mem>>) src(%dma_wait3A_96 : memref<4x128xi32, #tpu.memory_space<hbm>>) dst(%arg5 : memref<4x128xi32, #tpu.memory_space<vmem>>)
      tpu.yield
    }) : () -> ()
    %dma_start3A = arith.constant 0 : i32
    %dma_start3A_3 = arith.constant 0 : i32
    %dma_start3A_4 = arith.constant 0 : i32
    %dma_start3A_5 = tpu.memref_slice %arg6[%dma_start3A_3, %dma_start3A_4] : memref<512x128xf32, #tpu.memory_space<vmem>> -> memref<128x128xf32, #tpu.memory_space<vmem>>
    %dma_start3A_6 = arith.constant 0 : i32
    %dma_start3A_7 = tpu.memref_slice %arg5[%dma_start3A, %dma_start3A_6] : memref<4x128xi32, #tpu.memory_space<vmem>> -> memref<1x128xi32, #tpu.memory_space<vmem>>
    %dma_start3A_8 = tpu.memref_squeeze %dma_start3A_7 : memref<1x128xi32, #tpu.memory_space<vmem>> -> memref<128xi32, #tpu.memory_space<vmem>>
    %dma_start3A_9 = arith.constant 0 : i32
    %dma_start3A_10 = arith.constant 0 : i32
    %dma_start3A_11 = tpu.memref_slice %arg3[%dma_start3A_9, %dma_start3A_10] : memref<100000x128xf32, #tpu.memory_space<hbm>> -> memref<100000x128xf32, #tpu.memory_space<hbm>>
    tpu.enqueue_indirect_dma source(%dma_start3A_11 : memref<100000x128xf32, #tpu.memory_space<hbm>>) target(%dma_start3A_5 : memref<128x128xf32, #tpu.memory_space<vmem>>) offsets(%dma_start3A_8 : memref<128xi32, #tpu.memory_space<vmem>>) semaphore(%arg7 : memref<!tpu.dma_semaphore, #tpu.memory_space<semaphore_mem>>)
    %dma_start3A_12 = arith.constant 1 : i32
    %dma_start3A_13 = arith.constant 128 : i32
    %dma_start3A_14 = arith.constant 0 : i32
    %dma_start3A_15 = tpu.memref_slice %arg6[%dma_start3A_13, %dma_start3A_14] : memref<512x128xf32, #tpu.memory_space<vmem>> -> memref<128x128xf32, #tpu.memory_space<vmem>>
    %dma_start3A_16 = arith.constant 0 : i32
    %dma_start3A_17 = tpu.memref_slice %arg5[%dma_start3A_12, %dma_start3A_16] : memref<4x128xi32, #tpu.memory_space<vmem>> -> memref<1x128xi32, #tpu.memory_space<vmem>>
    %dma_start3A_18 = tpu.memref_squeeze %dma_start3A_17 : memref<1x128xi32, #tpu.memory_space<vmem>> -> memref<128xi32, #tpu.memory_space<vmem>>
    %dma_start3A_19 = arith.constant 0 : i32
    %dma_start3A_20 = arith.constant 0 : i32
    %dma_start3A_21 = tpu.memref_slice %arg3[%dma_start3A_19, %dma_start3A_20] : memref<100000x128xf32, #tpu.memory_space<hbm>> -> memref<100000x128xf32, #tpu.memory_space<hbm>>
    tpu.enqueue_indirect_dma source(%dma_start3A_21 : memref<100000x128xf32, #tpu.memory_space<hbm>>) target(%dma_start3A_15 : memref<128x128xf32, #tpu.memory_space<vmem>>) offsets(%dma_start3A_18 : memref<128xi32, #tpu.memory_space<vmem>>) semaphore(%arg7 : memref<!tpu.dma_semaphore, #tpu.memory_space<semaphore_mem>>)
    %dma_start3A_22 = arith.constant 2 : i32
    %dma_start3A_23 = arith.constant 256 : i32
    %dma_start3A_24 = arith.constant 0 : i32
    %dma_start3A_25 = tpu.memref_slice %arg6[%dma_start3A_23, %dma_start3A_24] : memref<512x128xf32, #tpu.memory_space<vmem>> -> memref<128x128xf32, #tpu.memory_space<vmem>>
    %dma_start3A_26 = arith.constant 0 : i32
    %dma_start3A_27 = tpu.memref_slice %arg5[%dma_start3A_22, %dma_start3A_26] : memref<4x128xi32, #tpu.memory_space<vmem>> -> memref<1x128xi32, #tpu.memory_space<vmem>>
    %dma_start3A_28 = tpu.memref_squeeze %dma_start3A_27 : memref<1x128xi32, #tpu.memory_space<vmem>> -> memref<128xi32, #tpu.memory_space<vmem>>
    %dma_start3A_29 = arith.constant 0 : i32
    %dma_start3A_30 = arith.constant 0 : i32
    %dma_start3A_31 = tpu.memref_slice %arg3[%dma_start3A_29, %dma_start3A_30] : memref<100000x128xf32, #tpu.memory_space<hbm>> -> memref<100000x128xf32, #tpu.memory_space<hbm>>
    tpu.enqueue_indirect_dma source(%dma_start3A_31 : memref<100000x128xf32, #tpu.memory_space<hbm>>) target(%dma_start3A_25 : memref<128x128xf32, #tpu.memory_space<vmem>>) offsets(%dma_start3A_28 : memref<128xi32, #tpu.memory_space<vmem>>) semaphore(%arg7 : memref<!tpu.dma_semaphore, #tpu.memory_space<semaphore_mem>>)
    %dma_start3A_32 = arith.constant 3 : i32
    %dma_start3A_33 = arith.constant 384 : i32
    %dma_start3A_34 = arith.constant 0 : i32
    %dma_start3A_35 = tpu.memref_slice %arg6[%dma_start3A_33, %dma_start3A_34] : memref<512x128xf32, #tpu.memory_space<vmem>> -> memref<128x128xf32, #tpu.memory_space<vmem>>
    %dma_start3A_36 = arith.constant 0 : i32
    %dma_start3A_37 = tpu.memref_slice %arg5[%dma_start3A_32, %dma_start3A_36] : memref<4x128xi32, #tpu.memory_space<vmem>> -> memref<1x128xi32, #tpu.memory_space<vmem>>
    %dma_start3A_38 = tpu.memref_squeeze %dma_start3A_37 : memref<1x128xi32, #tpu.memory_space<vmem>> -> memref<128xi32, #tpu.memory_space<vmem>>
    %dma_start3A_39 = arith.constant 0 : i32
    %dma_start3A_40 = arith.constant 0 : i32
    %dma_start3A_41 = tpu.memref_slice %arg3[%dma_start3A_39, %dma_start3A_40] : memref<100000x128xf32, #tpu.memory_space<hbm>> -> memref<100000x128xf32, #tpu.memory_space<hbm>>
    tpu.enqueue_indirect_dma source(%dma_start3A_41 : memref<100000x128xf32, #tpu.memory_space<hbm>>) target(%dma_start3A_35 : memref<128x128xf32, #tpu.memory_space<vmem>>) offsets(%dma_start3A_38 : memref<128xi32, #tpu.memory_space<vmem>>) semaphore(%arg7 : memref<!tpu.dma_semaphore, #tpu.memory_space<semaphore_mem>>)
    %dma_wait3A = arith.constant 0 : i32
    %dma_wait3A_42 = arith.constant 0 : i32
    %dma_wait3A_43 = arith.constant 0 : i32
    %dma_wait3A_44 = tpu.memref_slice %arg6[%dma_wait3A_42, %dma_wait3A_43] : memref<512x128xf32, #tpu.memory_space<vmem>> -> memref<128x128xf32, #tpu.memory_space<vmem>>
    %dma_wait3A_45 = arith.constant 0 : i32
    %dma_wait3A_46 = tpu.memref_slice %arg5[%dma_wait3A, %dma_wait3A_45] : memref<4x128xi32, #tpu.memory_space<vmem>> -> memref<1x128xi32, #tpu.memory_space<vmem>>
    %dma_wait3A_47 = tpu.memref_squeeze %dma_wait3A_46 : memref<1x128xi32, #tpu.memory_space<vmem>> -> memref<128xi32, #tpu.memory_space<vmem>>
    %dma_wait3A_48 = arith.constant 0 : i32
    %dma_wait3A_49 = arith.constant 0 : i32
    %dma_wait3A_50 = tpu.memref_slice %arg3[%dma_wait3A_48, %dma_wait3A_49] : memref<100000x128xf32, #tpu.memory_space<hbm>> -> memref<100000x128xf32, #tpu.memory_space<hbm>>
    tpu.wait_indirect_dma semaphore(%arg7 : memref<!tpu.dma_semaphore, #tpu.memory_space<semaphore_mem>>) src(%dma_wait3A_50 : memref<100000x128xf32, #tpu.memory_space<hbm>>) dst(%dma_wait3A_44 : memref<128x128xf32, #tpu.memory_space<vmem>>)
    %dma_wait3A_51 = arith.constant 1 : i32
    %dma_wait3A_52 = arith.constant 128 : i32
    %dma_wait3A_53 = arith.constant 0 : i32
    %dma_wait3A_54 = tpu.memref_slice %arg6[%dma_wait3A_52, %dma_wait3A_53] : memref<512x128xf32, #tpu.memory_space<vmem>> -> memref<128x128xf32, #tpu.memory_space<vmem>>
    %dma_wait3A_55 = arith.constant 0 : i32
    %dma_wait3A_56 = tpu.memref_slice %arg5[%dma_wait3A_51, %dma_wait3A_55] : memref<4x128xi32, #tpu.memory_space<vmem>> -> memref<1x128xi32, #tpu.memory_space<vmem>>
    %dma_wait3A_57 = tpu.memref_squeeze %dma_wait3A_56 : memref<1x128xi32, #tpu.memory_space<vmem>> -> memref<128xi32, #tpu.memory_space<vmem>>
    %dma_wait3A_58 = arith.constant 0 : i32
    %dma_wait3A_59 = arith.constant 0 : i32
    %dma_wait3A_60 = tpu.memref_slice %arg3[%dma_wait3A_58, %dma_wait3A_59] : memref<100000x128xf32, #tpu.memory_space<hbm>> -> memref<100000x128xf32, #tpu.memory_space<hbm>>
    tpu.wait_indirect_dma semaphore(%arg7 : memref<!tpu.dma_semaphore, #tpu.memory_space<semaphore_mem>>) src(%dma_wait3A_60 : memref<100000x128xf32, #tpu.memory_space<hbm>>) dst(%dma_wait3A_54 : memref<128x128xf32, #tpu.memory_space<vmem>>)
    %dma_wait3A_61 = arith.constant 2 : i32
    %dma_wait3A_62 = arith.constant 256 : i32
    %dma_wait3A_63 = arith.constant 0 : i32
    %dma_wait3A_64 = tpu.memref_slice %arg6[%dma_wait3A_62, %dma_wait3A_63] : memref<512x128xf32, #tpu.memory_space<vmem>> -> memref<128x128xf32, #tpu.memory_space<vmem>>
    %dma_wait3A_65 = arith.constant 0 : i32
    %dma_wait3A_66 = tpu.memref_slice %arg5[%dma_wait3A_61, %dma_wait3A_65] : memref<4x128xi32, #tpu.memory_space<vmem>> -> memref<1x128xi32, #tpu.memory_space<vmem>>
    %dma_wait3A_67 = tpu.memref_squeeze %dma_wait3A_66 : memref<1x128xi32, #tpu.memory_space<vmem>> -> memref<128xi32, #tpu.memory_space<vmem>>
    %dma_wait3A_68 = arith.constant 0 : i32
    %dma_wait3A_69 = arith.constant 0 : i32
    %dma_wait3A_70 = tpu.memref_slice %arg3[%dma_wait3A_68, %dma_wait3A_69] : memref<100000x128xf32, #tpu.memory_space<hbm>> -> memref<100000x128xf32, #tpu.memory_space<hbm>>
    tpu.wait_indirect_dma semaphore(%arg7 : memref<!tpu.dma_semaphore, #tpu.memory_space<semaphore_mem>>) src(%dma_wait3A_70 : memref<100000x128xf32, #tpu.memory_space<hbm>>) dst(%dma_wait3A_64 : memref<128x128xf32, #tpu.memory_space<vmem>>)
    %dma_wait3A_71 = arith.constant 3 : i32
    %dma_wait3A_72 = arith.constant 384 : i32
    %dma_wait3A_73 = arith.constant 0 : i32
    %dma_wait3A_74 = tpu.memref_slice %arg6[%dma_wait3A_72, %dma_wait3A_73] : memref<512x128xf32, #tpu.memory_space<vmem>> -> memref<128x128xf32, #tpu.memory_space<vmem>>
    %dma_wait3A_75 = arith.constant 0 : i32
    %dma_wait3A_76 = tpu.memref_slice %arg5[%dma_wait3A_71, %dma_wait3A_75] : memref<4x128xi32, #tpu.memory_space<vmem>> -> memref<1x128xi32, #tpu.memory_space<vmem>>
    %dma_wait3A_77 = tpu.memref_squeeze %dma_wait3A_76 : memref<1x128xi32, #tpu.memory_space<vmem>> -> memref<128xi32, #tpu.memory_space<vmem>>
    %dma_wait3A_78 = arith.constant 0 : i32
    %dma_wait3A_79 = arith.constant 0 : i32
    %dma_wait3A_80 = tpu.memref_slice %arg3[%dma_wait3A_78, %dma_wait3A_79] : memref<100000x128xf32, #tpu.memory_space<hbm>> -> memref<100000x128xf32, #tpu.memory_space<hbm>>
    tpu.wait_indirect_dma semaphore(%arg7 : memref<!tpu.dma_semaphore, #tpu.memory_space<semaphore_mem>>) src(%dma_wait3A_80 : memref<100000x128xf32, #tpu.memory_space<hbm>>) dst(%dma_wait3A_74 : memref<128x128xf32, #tpu.memory_space<vmem>>)
    "tpu.region"() ({
      %run_scoped3A = tpu.sem_alloc : memref<!tpu.dma_semaphore, #tpu.memory_space<semaphore_mem>>
      %dma_start3A_81 = arith.constant 0 : i32
      %dma_start3A_82 = tpu.memref_slice %arg4[%mul3A_2, %dma_start3A_81] : memref<16384x128xf32, #tpu.memory_space<hbm>> -> memref<512x128xf32, #tpu.memory_space<hbm>>
      %dma_start3A_83 = arith.constant 0 : i32
      %dma_start3A_84 = tpu.memref_slice %arg4[%mul3A_2, %dma_start3A_83] : memref<16384x128xf32, #tpu.memory_space<hbm>> -> memref<512x128xf32, #tpu.memory_space<hbm>>
      tpu.enqueue_dma source(%arg6 : memref<512x128xf32, #tpu.memory_space<vmem>>) target(%dma_start3A_84 : memref<512x128xf32, #tpu.memory_space<hbm>>) target_semaphore(%run_scoped3A : memref<!tpu.dma_semaphore, #tpu.memory_space<semaphore_mem>>)
      %dma_wait3A_85 = arith.constant 0 : i32
      %dma_wait3A_86 = tpu.memref_slice %arg4[%mul3A_2, %dma_wait3A_85] : memref<16384x128xf32, #tpu.memory_space<hbm>> -> memref<512x128xf32, #tpu.memory_space<hbm>>
      %dma_wait3A_87 = arith.constant 0 : i32
      %dma_wait3A_88 = tpu.memref_slice %arg4[%mul3A_2, %dma_wait3A_87] : memref<16384x128xf32, #tpu.memory_space<hbm>> -> memref<512x128xf32, #tpu.memory_space<hbm>>
      tpu.wait_dma2 semaphore(%run_scoped3A : memref<!tpu.dma_semaphore, #tpu.memory_space<semaphore_mem>>) src(%arg6 : memref<512x128xf32, #tpu.memory_space<vmem>>) dst(%dma_wait3A_88 : memref<512x128xf32, #tpu.memory_space<hbm>>)
      tpu.yield
    }) : () -> ()
    return
  }
}

module attributes {stable_mosaic.version = 14 : i64} {
  func.func @_mlp_body(%arg0: i32, %arg1: memref<2048x128xf32, #tpu.memory_space<vmem>>, %arg2: memref<2048x128xf32, #tpu.memory_space<vmem>>, %arg3: memref<2048x128xf32, #tpu.memory_space<vmem>>, %arg4: memref<16x128xf32, #tpu.memory_space<vmem>>, %arg5: memref<2048x384xf32, #tpu.memory_space<vmem>>, %arg6: memref<20x32xf32, #tpu.memory_space<vmem>>, %arg7: memref<672x256xf32, #tpu.memory_space<vmem>>, %arg8: memref<1x256xf32, #tpu.memory_space<vmem>>, %arg9: memref<256x256xf32, #tpu.memory_space<vmem>>, %arg10: memref<1x256xf32, #tpu.memory_space<vmem>>, %arg11: memref<256x256xf32, #tpu.memory_space<vmem>>, %arg12: memref<1x256xf32, #tpu.memory_space<vmem>>, %arg13: memref<256x256xf32, #tpu.memory_space<vmem>>, %arg14: memref<1x256xf32, #tpu.memory_space<vmem>>, %arg15: memref<256x128xf32, #tpu.memory_space<vmem>>, %arg16: memref<1x128xf32, #tpu.memory_space<vmem>>, %arg17: memref<2048x128xf32, #tpu.memory_space<vmem>>) attributes {dimension_semantics = [#tpu.dimension_semantics<arbitrary>], iteration_bounds = array<i64: 8>, scalar_prefetch = 0 : i64, scratch_operands = 0 : i64, tpu.core_type = #tpu.core_type<tc>, window_params = [{transform_indices = @transform_0, window_bounds = array<i64: 2048, 128>}, {transform_indices = @transform_1, window_bounds = array<i64: 2048, 128>}, {transform_indices = @transform_2, window_bounds = array<i64: 2048, 128>}, {transform_indices = @transform_3, window_bounds = array<i64: 16, 128>}, {transform_indices = @transform_4, window_bounds = array<i64: 2048, 384>}, {pipeline_mode = #tpu.pipeline_mode<synchronous>, transform_indices = @transform_5, window_bounds = array<i64: 20, 32>}, {pipeline_mode = #tpu.pipeline_mode<synchronous>, transform_indices = @transform_6, window_bounds = array<i64: 672, 256>}, {pipeline_mode = #tpu.pipeline_mode<synchronous>, transform_indices = @transform_7, window_bounds = array<i64: 1, 256>}, {pipeline_mode = #tpu.pipeline_mode<synchronous>, transform_indices = @transform_8, window_bounds = array<i64: 256, 256>}, {pipeline_mode = #tpu.pipeline_mode<synchronous>, transform_indices = @transform_9, window_bounds = array<i64: 1, 256>}, {pipeline_mode = #tpu.pipeline_mode<synchronous>, transform_indices = @transform_10, window_bounds = array<i64: 256, 256>}, {pipeline_mode = #tpu.pipeline_mode<synchronous>, transform_indices = @transform_11, window_bounds = array<i64: 1, 256>}, {pipeline_mode = #tpu.pipeline_mode<synchronous>, transform_indices = @transform_12, window_bounds = array<i64: 256, 256>}, {pipeline_mode = #tpu.pipeline_mode<synchronous>, transform_indices = @transform_13, window_bounds = array<i64: 1, 256>}, {pipeline_mode = #tpu.pipeline_mode<synchronous>, transform_indices = @transform_14, window_bounds = array<i64: 256, 128>}, {pipeline_mode = #tpu.pipeline_mode<synchronous>, transform_indices = @transform_15, window_bounds = array<i64: 1, 128>}, {transform_indices = @transform_16, window_bounds = array<i64: 2048, 128>}]} {
    %iota3A = tpu.iota {dimensions = array<i32: 0>} : vector<2048x1xi32>
    %iota3A_0 = tpu.iota {dimensions = array<i32: 1>} : vector<2048x16xi32>
    %jit3A = arith.constant 128 : i32
    %div3A = vector.broadcast %jit3A : i32 to vector<2048x1xi32>
    %div3A_1 = arith.divsi %iota3A, %div3A : vector<2048x1xi32>
    %sign3A = arith.constant 0 : i32
    %sign3A_2 = vector.broadcast %sign3A : i32 to vector<2048x1xi32>
    %sign3A_3 = arith.cmpi sgt, %iota3A, %sign3A_2 : vector<2048x1xi32>
    %sign3A_4 = arith.extui %sign3A_3 : vector<2048x1xi1> to vector<2048x1xi32>
    %sign3A_5 = arith.constant 0 : i32
    %sign3A_6 = vector.broadcast %sign3A_5 : i32 to vector<2048x1xi32>
    %sign3A_7 = arith.cmpi slt, %iota3A, %sign3A_6 : vector<2048x1xi32>
    %sign3A_8 = arith.extui %sign3A_7 : vector<2048x1xi1> to vector<2048x1xi32>
    %sign3A_9 = arith.subi %sign3A_4, %sign3A_8 : vector<2048x1xi32>
    %sign3A_10 = arith.constant 0 : i32
    %sign3A_11 = arith.cmpi sgt, %jit3A, %sign3A_10 : i32
    %sign3A_12 = arith.extui %sign3A_11 : i1 to i32
    %sign3A_13 = arith.constant 0 : i32
    %sign3A_14 = arith.cmpi slt, %jit3A, %sign3A_13 : i32
    %sign3A_15 = arith.extui %sign3A_14 : i1 to i32
    %sign3A_16 = arith.subi %sign3A_12, %sign3A_15 : i32
    %ne3A = vector.broadcast %sign3A_16 : i32 to vector<2048x1xi32>
    %ne3A_17 = arith.cmpi ne, %sign3A_9, %ne3A : vector<2048x1xi32>
    %rem3A = vector.broadcast %jit3A : i32 to vector<2048x1xi32>
    %rem3A_18 = arith.remsi %iota3A, %rem3A : vector<2048x1xi32>
    %ne3A_19 = arith.constant 0 : i32
    %ne3A_20 = vector.broadcast %ne3A_19 : i32 to vector<2048x1xi32>
    %ne3A_21 = arith.cmpi ne, %rem3A_18, %ne3A_20 : vector<2048x1xi32>
    %and3A = arith.andi %ne3A_17, %ne3A_21 : vector<2048x1xi1>
    %sub3A = arith.constant 1 : i32
    %sub3A_22 = vector.broadcast %sub3A : i32 to vector<2048x1xi32>
    %sub3A_23 = arith.subi %div3A_1, %sub3A_22 : vector<2048x1xi32>
    %select_n3A = arith.select %and3A, %sub3A_23, %div3A_1 : vector<2048x1xi1>, vector<2048x1xi32>
    %eq3A = vector.broadcast %select_n3A : vector<2048x1xi32> to vector<2048x16xi32>
    %eq3A_24 = arith.cmpi eq, %iota3A_0, %eq3A : vector<2048x16xi32>
    %convert_element_type3A = arith.extui %eq3A_24 : vector<2048x16xi1> to vector<2048x16xi32>
    %convert_element_type3A_25 = arith.sitofp %convert_element_type3A : vector<2048x16xi32> to vector<2048x16xf32>
    %get3A = arith.constant 0 : index
    %get3A_26 = arith.constant 0 : index
    %get3A_27 = vector.load %arg4[%get3A, %get3A_26] : memref<16x128xf32, #tpu.memory_space<vmem>>, vector<16x128xf32>
    %dot_general3A = arith.constant dense<0.000000e+00> : vector<2048x128xf32>
    %dot_general3A_28 = tpu.matmul %convert_element_type3A_25, %get3A_27, %dot_general3A {dimension_numbers = #tpu.dot_dimension_numbers<[1], [0], [0], [1], [0, 0, 1, 1], [], []>, transpose_lhs_hint = false} : vector<2048x16xf32>, vector<16x128xf32>, vector<2048x128xf32> -> vector<2048x128xf32>
    %iota3A_29 = tpu.iota {dimensions = array<i32: 1>} : vector<2048x128xi32>
    %jit3A_30 = arith.constant 128 : i32
    %eq3A_31 = arith.constant 0 : i32
    %eq3A_32 = arith.cmpi eq, %jit3A_30, %eq3A_31 : i32
    %jit3A_33 = arith.constant 1 : i32
    %select_n3A_34 = arith.select %eq3A_32, %jit3A_33, %jit3A_30 : i32
    %rem3A_35 = vector.broadcast %select_n3A_34 : i32 to vector<2048x1xi32>
    %rem3A_36 = arith.remsi %iota3A, %rem3A_35 : vector<2048x1xi32>
    %ne3A_37 = arith.constant 0 : i32
    %ne3A_38 = vector.broadcast %ne3A_37 : i32 to vector<2048x1xi32>
    %ne3A_39 = arith.cmpi ne, %rem3A_36, %ne3A_38 : vector<2048x1xi32>
    %lt3A = arith.constant 0 : i32
    %lt3A_40 = vector.broadcast %lt3A : i32 to vector<2048x1xi32>
    %lt3A_41 = arith.cmpi slt, %rem3A_36, %lt3A_40 : vector<2048x1xi32>
    %lt3A_42 = arith.constant 0 : i32
    %lt3A_43 = arith.cmpi slt, %select_n3A_34, %lt3A_42 : i32
    %ne3A_44 = vector.broadcast %lt3A_43 : i1 to vector<2048x1xi1>
    %ne3A_45 = vector.broadcast %ne3A_44 : vector<2048x1xi1> to vector<2048x1xi1>
    %ne3A_46 = arith.xori %lt3A_41, %ne3A_45 : vector<2048x1xi1>
    %and3A_47 = arith.andi %ne3A_46, %ne3A_39 : vector<2048x1xi1>
    %add3A = vector.broadcast %select_n3A_34 : i32 to vector<2048x1xi32>
    %add3A_48 = arith.addi %rem3A_36, %add3A : vector<2048x1xi32>
    %select_n3A_49 = arith.select %and3A_47, %add3A_48, %rem3A_36 : vector<2048x1xi1>, vector<2048x1xi32>
    %eq3A_50 = vector.broadcast %select_n3A_49 : vector<2048x1xi32> to vector<2048x128xi32>
    %eq3A_51 = arith.cmpi eq, %iota3A_29, %eq3A_50 : vector<2048x128xi32>
    %convert_element_type3A_52 = arith.extui %eq3A_51 : vector<2048x128xi1> to vector<2048x128xi32>
    %convert_element_type3A_53 = arith.sitofp %convert_element_type3A_52 : vector<2048x128xi32> to vector<2048x128xf32>
    %mul3A = arith.mulf %dot_general3A_28, %convert_element_type3A_53 : vector<2048x128xf32>
    %broadcast_in_dim3A = arith.constant 1.000000e+00 : f32
    %broadcast_in_dim3A_54 = vector.broadcast %broadcast_in_dim3A : f32 to vector<128x8xf32>
    %dot_general3A_55 = arith.constant dense<0.000000e+00> : vector<2048x8xf32>
    %dot_general3A_56 = tpu.matmul %mul3A, %broadcast_in_dim3A_54, %dot_general3A_55 {dimension_numbers = #tpu.dot_dimension_numbers<[1], [0], [0], [1], [0, 0, 1, 1], [], []>, transpose_lhs_hint = false} : vector<2048x128xf32>, vector<128x8xf32>, vector<2048x8xf32> -> vector<2048x8xf32>
    %slice3A = vector.extract_strided_slice %dot_general3A_56 {offsets = [0, 0], sizes = [2048, 1], strides = [1, 1]} : vector<2048x8xf32> to vector<2048x1xf32>
    %iota3A_57 = tpu.iota {dimensions = array<i32: 1>} : vector<2048x32xi32>
    %convert_element_type3A_58 = arith.sitofp %iota3A_57 : vector<2048x32xi32> to vector<2048x32xf32>
    %eq3A_59 = vector.broadcast %slice3A : vector<2048x1xf32> to vector<2048x32xf32>
    %eq3A_60 = arith.cmpf oeq, %eq3A_59, %convert_element_type3A_58 : vector<2048x32xf32>
    %slice3A_61 = vector.extract_strided_slice %eq3A_60 {offsets = [0, 0], sizes = [2048, 20], strides = [1, 1]} : vector<2048x32xi1> to vector<2048x20xi1>
    %convert_element_type3A_62 = arith.extui %slice3A_61 : vector<2048x20xi1> to vector<2048x20xi32>
    %convert_element_type3A_63 = arith.sitofp %convert_element_type3A_62 : vector<2048x20xi32> to vector<2048x20xf32>
    %get3A_64 = arith.constant 0 : index
    %get3A_65 = arith.constant 0 : index
    %get3A_66 = vector.load %arg6[%get3A_64, %get3A_65] : memref<20x32xf32, #tpu.memory_space<vmem>>, vector<20x32xf32>
    %dot_general3A_67 = arith.constant dense<0.000000e+00> : vector<2048x32xf32>
    %dot_general3A_68 = tpu.matmul %convert_element_type3A_63, %get3A_66, %dot_general3A_67 {dimension_numbers = #tpu.dot_dimension_numbers<[1], [0], [0], [1], [0, 0, 1, 1], [], []>, transpose_lhs_hint = false} : vector<2048x20xf32>, vector<20x32xf32>, vector<2048x32xf32> -> vector<2048x32xf32>
    %get3A_69 = arith.constant 0 : index
    %get3A_70 = arith.constant 0 : index
    %get3A_71 = vector.load %arg1[%get3A_69, %get3A_70] : memref<2048x128xf32, #tpu.memory_space<vmem>>, vector<2048x128xf32>
    %get3A_72 = arith.constant 0 : index
    %get3A_73 = arith.constant 0 : index
    %get3A_74 = vector.load %arg2[%get3A_72, %get3A_73] : memref<2048x128xf32, #tpu.memory_space<vmem>>, vector<2048x64xf32>
    %get3A_75 = arith.constant 0 : index
    %get3A_76 = arith.constant 0 : index
    %get3A_77 = vector.load %arg3[%get3A_75, %get3A_76] : memref<2048x128xf32, #tpu.memory_space<vmem>>, vector<2048x64xf32>
    %get3A_78 = arith.constant 0 : index
    %get3A_79 = arith.constant 0 : index
    %get3A_80 = vector.load %arg5[%get3A_78, %get3A_79] : memref<2048x384xf32, #tpu.memory_space<vmem>>, vector<2048x384xf32>
    %concatenate3A = tpu.concatenate %get3A_71, %get3A_74, %get3A_77, %dot_general3A_68, %get3A_80 in 1 : vector<2048x128xf32>, vector<2048x64xf32>, vector<2048x64xf32>, vector<2048x32xf32>, vector<2048x384xf32> -> vector<2048x672xf32>
    %get3A_81 = arith.constant 0 : index
    %get3A_82 = arith.constant 0 : index
    %get3A_83 = vector.load %arg7[%get3A_81, %get3A_82] : memref<672x256xf32, #tpu.memory_space<vmem>>, vector<672x256xf32>
    %convert_element_type3A_84 = arith.truncf %concatenate3A : vector<2048x672xf32> to vector<2048x672xbf16>
    %convert_element_type3A_85 = arith.truncf %get3A_83 : vector<672x256xf32> to vector<672x256xbf16>
    %dot_general3A_86 = arith.constant dense<0.000000e+00> : vector<2048x256xf32>
    %dot_general3A_87 = tpu.matmul %convert_element_type3A_84, %convert_element_type3A_85, %dot_general3A_86 {dimension_numbers = #tpu.dot_dimension_numbers<[1], [0], [0], [1], [0, 0, 1, 1], [], []>, transpose_lhs_hint = false} : vector<2048x672xbf16>, vector<672x256xbf16>, vector<2048x256xf32> -> vector<2048x256xf32>
    %get3A_88 = arith.constant 0 : index
    %get3A_89 = arith.constant 0 : index
    %get3A_90 = vector.load %arg8[%get3A_88, %get3A_89] : memref<1x256xf32, #tpu.memory_space<vmem>>, vector<1x256xf32>
    %add3A_91 = vector.broadcast %get3A_90 : vector<1x256xf32> to vector<2048x256xf32>
    %add3A_92 = arith.addf %dot_general3A_87, %add3A_91 : vector<2048x256xf32>
    %max3A = arith.constant 0.000000e+00 : f32
    %max3A_93 = vector.broadcast %max3A : f32 to vector<2048x256xf32>
    %max3A_94 = arith.maximumf %add3A_92, %max3A_93 : vector<2048x256xf32>
    %get3A_95 = arith.constant 0 : index
    %get3A_96 = arith.constant 0 : index
    %get3A_97 = vector.load %arg9[%get3A_95, %get3A_96] : memref<256x256xf32, #tpu.memory_space<vmem>>, vector<256x256xf32>
    %convert_element_type3A_98 = arith.truncf %max3A_94 : vector<2048x256xf32> to vector<2048x256xbf16>
    %convert_element_type3A_99 = arith.truncf %get3A_97 : vector<256x256xf32> to vector<256x256xbf16>
    %dot_general3A_100 = arith.constant dense<0.000000e+00> : vector<2048x256xf32>
    %dot_general3A_101 = tpu.matmul %convert_element_type3A_98, %convert_element_type3A_99, %dot_general3A_100 {dimension_numbers = #tpu.dot_dimension_numbers<[1], [0], [0], [1], [0, 0, 1, 1], [], []>, transpose_lhs_hint = false} : vector<2048x256xbf16>, vector<256x256xbf16>, vector<2048x256xf32> -> vector<2048x256xf32>
    %get3A_102 = arith.constant 0 : index
    %get3A_103 = arith.constant 0 : index
    %get3A_104 = vector.load %arg10[%get3A_102, %get3A_103] : memref<1x256xf32, #tpu.memory_space<vmem>>, vector<1x256xf32>
    %add3A_105 = vector.broadcast %get3A_104 : vector<1x256xf32> to vector<2048x256xf32>
    %add3A_106 = arith.addf %dot_general3A_101, %add3A_105 : vector<2048x256xf32>
    %max3A_107 = arith.constant 0.000000e+00 : f32
    %max3A_108 = vector.broadcast %max3A_107 : f32 to vector<2048x256xf32>
    %max3A_109 = arith.maximumf %add3A_106, %max3A_108 : vector<2048x256xf32>
    %get3A_110 = arith.constant 0 : index
    %get3A_111 = arith.constant 0 : index
    %get3A_112 = vector.load %arg11[%get3A_110, %get3A_111] : memref<256x256xf32, #tpu.memory_space<vmem>>, vector<256x256xf32>
    %convert_element_type3A_113 = arith.truncf %max3A_109 : vector<2048x256xf32> to vector<2048x256xbf16>
    %convert_element_type3A_114 = arith.truncf %get3A_112 : vector<256x256xf32> to vector<256x256xbf16>
    %dot_general3A_115 = arith.constant dense<0.000000e+00> : vector<2048x256xf32>
    %dot_general3A_116 = tpu.matmul %convert_element_type3A_113, %convert_element_type3A_114, %dot_general3A_115 {dimension_numbers = #tpu.dot_dimension_numbers<[1], [0], [0], [1], [0, 0, 1, 1], [], []>, transpose_lhs_hint = false} : vector<2048x256xbf16>, vector<256x256xbf16>, vector<2048x256xf32> -> vector<2048x256xf32>
    %get3A_117 = arith.constant 0 : index
    %get3A_118 = arith.constant 0 : index
    %get3A_119 = vector.load %arg12[%get3A_117, %get3A_118] : memref<1x256xf32, #tpu.memory_space<vmem>>, vector<1x256xf32>
    %add3A_120 = vector.broadcast %get3A_119 : vector<1x256xf32> to vector<2048x256xf32>
    %add3A_121 = arith.addf %dot_general3A_116, %add3A_120 : vector<2048x256xf32>
    %max3A_122 = arith.constant 0.000000e+00 : f32
    %max3A_123 = vector.broadcast %max3A_122 : f32 to vector<2048x256xf32>
    %max3A_124 = arith.maximumf %add3A_121, %max3A_123 : vector<2048x256xf32>
    %get3A_125 = arith.constant 0 : index
    %get3A_126 = arith.constant 0 : index
    %get3A_127 = vector.load %arg13[%get3A_125, %get3A_126] : memref<256x256xf32, #tpu.memory_space<vmem>>, vector<256x256xf32>
    %convert_element_type3A_128 = arith.truncf %max3A_124 : vector<2048x256xf32> to vector<2048x256xbf16>
    %convert_element_type3A_129 = arith.truncf %get3A_127 : vector<256x256xf32> to vector<256x256xbf16>
    %dot_general3A_130 = arith.constant dense<0.000000e+00> : vector<2048x256xf32>
    %dot_general3A_131 = tpu.matmul %convert_element_type3A_128, %convert_element_type3A_129, %dot_general3A_130 {dimension_numbers = #tpu.dot_dimension_numbers<[1], [0], [0], [1], [0, 0, 1, 1], [], []>, transpose_lhs_hint = false} : vector<2048x256xbf16>, vector<256x256xbf16>, vector<2048x256xf32> -> vector<2048x256xf32>
    %get3A_132 = arith.constant 0 : index
    %get3A_133 = arith.constant 0 : index
    %get3A_134 = vector.load %arg14[%get3A_132, %get3A_133] : memref<1x256xf32, #tpu.memory_space<vmem>>, vector<1x256xf32>
    %add3A_135 = vector.broadcast %get3A_134 : vector<1x256xf32> to vector<2048x256xf32>
    %add3A_136 = arith.addf %dot_general3A_131, %add3A_135 : vector<2048x256xf32>
    %max3A_137 = arith.constant 0.000000e+00 : f32
    %max3A_138 = vector.broadcast %max3A_137 : f32 to vector<2048x256xf32>
    %max3A_139 = arith.maximumf %add3A_136, %max3A_138 : vector<2048x256xf32>
    %get3A_140 = arith.constant 0 : index
    %get3A_141 = arith.constant 0 : index
    %get3A_142 = vector.load %arg15[%get3A_140, %get3A_141] : memref<256x128xf32, #tpu.memory_space<vmem>>, vector<256x128xf32>
    %convert_element_type3A_143 = arith.truncf %max3A_139 : vector<2048x256xf32> to vector<2048x256xbf16>
    %convert_element_type3A_144 = arith.truncf %get3A_142 : vector<256x128xf32> to vector<256x128xbf16>
    %dot_general3A_145 = arith.constant dense<0.000000e+00> : vector<2048x128xf32>
    %dot_general3A_146 = tpu.matmul %convert_element_type3A_143, %convert_element_type3A_144, %dot_general3A_145 {dimension_numbers = #tpu.dot_dimension_numbers<[1], [0], [0], [1], [0, 0, 1, 1], [], []>, transpose_lhs_hint = false} : vector<2048x256xbf16>, vector<256x128xbf16>, vector<2048x128xf32> -> vector<2048x128xf32>
    %get3A_147 = arith.constant 0 : index
    %get3A_148 = arith.constant 0 : index
    %get3A_149 = vector.load %arg16[%get3A_147, %get3A_148] : memref<1x128xf32, #tpu.memory_space<vmem>>, vector<1x128xf32>
    %add3A_150 = vector.broadcast %get3A_149 : vector<1x128xf32> to vector<2048x128xf32>
    %add3A_151 = arith.addf %dot_general3A_146, %add3A_150 : vector<2048x128xf32>
    %swap3A = arith.constant 0 : index
    %swap3A_152 = arith.constant 0 : index
    %swap3A_153 = vector.load %arg17[%swap3A, %swap3A_152] : memref<2048x128xf32, #tpu.memory_space<vmem>>, vector<2048x128xf32>
    tpu.vector_store %arg17[%swap3A, %swap3A_152], %add3A_151 {strides = array<i32>} : memref<2048x128xf32, #tpu.memory_space<vmem>>, vector<2048x128xf32>,
    return
  }
  func.func @transform_0(%arg0: i32) -> (i32, i32) {
    %c0_i32 = arith.constant 0 : i32
    %c0_i32_0 = arith.constant 0 : i32
    return %arg0, %c0_i32 : i32, i32
  }
  func.func @transform_1(%arg0: i32) -> (i32, i32) {
    %c0_i32 = arith.constant 0 : i32
    %c0_i32_0 = arith.constant 0 : i32
    return %arg0, %c0_i32 : i32, i32
  }
  func.func @transform_2(%arg0: i32) -> (i32, i32) {
    %c0_i32 = arith.constant 0 : i32
    %c0_i32_0 = arith.constant 0 : i32
    return %arg0, %c0_i32 : i32, i32
  }
  func.func @transform_3(%arg0: i32) -> (i32, i32) {
    %c0_i32 = arith.constant 0 : i32
    %c0_i32_0 = arith.constant 0 : i32
    return %arg0, %c0_i32 : i32, i32
  }
  func.func @transform_4(%arg0: i32) -> (i32, i32) {
    %c0_i32 = arith.constant 0 : i32
    %c0_i32_0 = arith.constant 0 : i32
    return %arg0, %c0_i32 : i32, i32
  }
  func.func @transform_5(%arg0: i32) -> (i32, i32) {
    %c0_i32 = arith.constant 0 : i32
    %c0_i32_0 = arith.constant 0 : i32
    %c0_i32_1 = arith.constant 0 : i32
    return %c0_i32, %c0_i32_0 : i32, i32
  }
  func.func @transform_6(%arg0: i32) -> (i32, i32) {
    %c0_i32 = arith.constant 0 : i32
    %c0_i32_0 = arith.constant 0 : i32
    %c0_i32_1 = arith.constant 0 : i32
    return %c0_i32, %c0_i32_0 : i32, i32
  }
  func.func @transform_7(%arg0: i32) -> (i32, i32) {
    %c0_i32 = arith.constant 0 : i32
    %c0_i32_0 = arith.constant 0 : i32
    %c0_i32_1 = arith.constant 0 : i32
    return %c0_i32, %c0_i32_0 : i32, i32
  }
  func.func @transform_8(%arg0: i32) -> (i32, i32) {
    %c0_i32 = arith.constant 0 : i32
    %c0_i32_0 = arith.constant 0 : i32
    %c0_i32_1 = arith.constant 0 : i32
    return %c0_i32, %c0_i32_0 : i32, i32
  }
  func.func @transform_9(%arg0: i32) -> (i32, i32) {
    %c0_i32 = arith.constant 0 : i32
    %c0_i32_0 = arith.constant 0 : i32
    %c0_i32_1 = arith.constant 0 : i32
    return %c0_i32, %c0_i32_0 : i32, i32
  }
  func.func @transform_10(%arg0: i32) -> (i32, i32) {
    %c0_i32 = arith.constant 0 : i32
    %c0_i32_0 = arith.constant 0 : i32
    %c0_i32_1 = arith.constant 0 : i32
    return %c0_i32, %c0_i32_0 : i32, i32
  }
  func.func @transform_11(%arg0: i32) -> (i32, i32) {
    %c0_i32 = arith.constant 0 : i32
    %c0_i32_0 = arith.constant 0 : i32
    %c0_i32_1 = arith.constant 0 : i32
    return %c0_i32, %c0_i32_0 : i32, i32
  }
  func.func @transform_12(%arg0: i32) -> (i32, i32) {
    %c0_i32 = arith.constant 0 : i32
    %c0_i32_0 = arith.constant 0 : i32
    %c0_i32_1 = arith.constant 0 : i32
    return %c0_i32, %c0_i32_0 : i32, i32
  }
  func.func @transform_13(%arg0: i32) -> (i32, i32) {
    %c0_i32 = arith.constant 0 : i32
    %c0_i32_0 = arith.constant 0 : i32
    %c0_i32_1 = arith.constant 0 : i32
    return %c0_i32, %c0_i32_0 : i32, i32
  }
  func.func @transform_14(%arg0: i32) -> (i32, i32) {
    %c0_i32 = arith.constant 0 : i32
    %c0_i32_0 = arith.constant 0 : i32
    %c0_i32_1 = arith.constant 0 : i32
    return %c0_i32, %c0_i32_0 : i32, i32
  }
  func.func @transform_15(%arg0: i32) -> (i32, i32) {
    %c0_i32 = arith.constant 0 : i32
    %c0_i32_0 = arith.constant 0 : i32
    %c0_i32_1 = arith.constant 0 : i32
    return %c0_i32, %c0_i32_0 : i32, i32
  }
  func.func @transform_16(%arg0: i32) -> (i32, i32) {
    %c0_i32 = arith.constant 0 : i32
    %c0_i32_0 = arith.constant 0 : i32
    return %arg0, %c0_i32 : i32, i32
  }
}

</mosaic_0001>

<sc_bundles>
// kernel: kernel.5.cloned.1.call-start
scs
__scs_entry_jumppad:
0x0: {  	(pc) =	sbr.rel $0x88, $3  }
0x1: {  	(tag) =	ssettag $0x0;
	lr =	simm.s32 $0x1  }
0x2: {  	[smem:$0x3F8E] =	sst lr;
	_ =	strace $0xD0000000  }
0x3: {  	_ = 	snop  }
0x4: {  	_ = 	snop  }
0x5: {  	_ = 	snop  }
0x6: {  	_ = 	snop  }
0x7: {  	_ = 	snop  }
__scs_overlays_trampoline_lowered:
0x8: {  	[smem:$0x3F9D] =	sst s0  }
0x9: {  	[smem:$0x3F9E] =	sst s1  }
0xa: {  	[smem:$0x3F9F] =	sst s2  }
0xb: {  	[smem:$0x3FA0] =	sst s3  }
0xc: {  	[smem:$0x3FA1] =	sst s4  }
0xd: {  	[smem:$0x3FA2] =	sst s5  }
0xe: {  	[smem:$0x3FA3] =	sst s6  }
0xf: {  	[smem:$0x3FA4] =	sst s7  }
0x10: {  	[smem:$0x3FA5] =	sst s8  }
0x11: {  	[smem:$0x3FA6] =	sst s9;
	s0 =	simm.s32 @!p0 $0x0  }
0x12: {  	s1 =	sld [smem:$0x3F8C];
	s0 =	simm.s32 @p0 $0x1  }
0x13: {  	[smem:$0x3FA7] =	sst s0;
	s0 =	simm.s32 @!p1 $0x0  }
0x14: {  	s2 =	sld [smem:$0x3F8B];
	s0 =	simm.s32 @p1 $0x1  }
0x15: {  	[smem:$0x3FA8] =	sst s0;
	s0 =	simm.s32 @!p2 $0x0  }
0x16: {  	s3 =	sld [smem:$0x3FDB];
	s0 =	simm.s32 @p2 $0x1  }
0x17: {  	s4 =	simm.s32 $0x1BF5;
	[smem:$0x3FAA] =	sst s0  }
0x18: {  	s0 =	sld [smem:$0x3F8D];
	_ =	swait.ge [sflag:s4], $0x0  }
0x19: {  	s7 =	sld [smem:$0x3F8E]  }
0x1a: {  	s8 =	sadd.s32 $0xFFFFE003, lr  }
0x1b: {  	s9 =	sadd.s32 $0xFFFFFEF7, lr;
	s5 =	simm.s32 $0xFFFFFFFF;
	p2 =	slt.u32 s8, $0xFFFFF086  }
0x1c: {  	p1 =	slt.u32 s9, $0xF7A;
	s5 =	simm.s32 @!p2 $0x0  }
0x1d: {  	s5 =	simm.s32 @p1 $0x1;
	p0 =	seq.s32 s7, s2  }
0x1e: {  	s7 =	smul.u32 @!p0 $0xF7A, s2;
	p2 =	seq.s32 @!p0 s5, $0x0  }
0x1f: {  	s9 =	smul.u32 $0xF7A, s1;
	s8 =	simm.s32 @!p0 $0x1BF5;
	p2 =	por !p2, p0  }
0x20: {  	[sflag:s8] =	ssyncset.s32 @!p0 $0xFFFFF086;
	s6 =	sadd.s32 @!p0 s3, s7;
	s7 =	simm.s32 @!p0 $0x108  }
0x21: {  	s3 =	sadd.s32 s3, s9;
	s6 =	sadd.s32 @!p0 $0x88, s6;
	s7 =	simm.s32 @p2 $0x1082  }
0x22: {  	[simem:s7], [sflag:s8] =	dma.local @!p0 [hbm:s6], $0xF7A  }
0x23: {  	s9 =	sor.u32 $0xD0000000, s2;
	s6 =	simm.s32 $0x108;
	_ =	swait.ge @!p0 [sflag:s8], $0x0  }
0x24: {  	s3 =	sadd.s32 $0x88, s3;
	s6 =	simm.s32 @!p1 $0x1082;
	[sflag:s4] =	ssyncset.s32 $0xFFFFF086  }
0x25: {  	[simem:s6], [sflag:s4] =	dma.local [hbm:s3], $0xF7A  }
0x26: {  	[smem:$0x3F8E] =	sst s1;
	(tag) =	ssettag s2;
	_ =	strace s9  }
0x27: {  	s1 =	sld [smem:$0x3F9E]  }
0x28: {  	s2 =	sld [smem:$0x3F9F]  }
0x29: {  	s4 =	sld [smem:$0x3FA1]  }
0x2a: {  	p0 =	seq.s32 s5, $0x0;
	s5 =	sld [smem:$0x3FA2]  }
0x2b: {  	s6 =	sld [smem:$0x3FA3]  }
0x2c: {  	s7 =	sld [smem:$0x3FA4]  }
0x2d: {  	s3 =	simm.s32 $0x108;
	s8 =	sld [smem:$0x3FA5]  }
0x2e: {  	s3 =	simm.s32 @!p0 $0x1082;
	s9 =	sld [smem:$0x3FA6]  }
0x2f: {  	lr =	sadd.s32 s0, s3;
	s0 =	sld [smem:$0x3F9D]  }
0x30: {  	s3 =	sld [smem:$0x3FA0]  }
0x31: {  	[smem:$0x3FA9] =	sst s10  }
0x32: {  	s10 =	sld [smem:$0x3FA7];
	_ =	sdelay $0x3  }
0x33: {  	p0 =	seq.s32 s10, $0x1;
	s10 =	sld [smem:$0x3FA9];
	_ =	sdelay $0x3  }
0x34: {  	[smem:$0x3FA9] =	sst s10  }
0x35: {  	s10 =	sld [smem:$0x3FA8];
	_ =	sdelay $0x3  }
0x36: {  	p1 =	seq.s32 s10, $0x1;
	s10 =	sld [smem:$0x3FA9];
	_ =	sdelay $0x3  }
0x37: {  	[smem:$0x3FA9] =	sst s10  }
0x38: {  	s10 =	sld [smem:$0x3FAA]  }
0x39: {  	_ = 	snop;
	(pc) =	sbr.ind lr, $3  }
0x3a: {  	_ = 	snop  }
0x3b: {  	_ = 	snop  }
0x3c: {  	p2 =	seq.s32 s10, $0x1;
	s10 =	sld [smem:$0x3FA9]  }
0x3d: {  	_ =	shalt  }
0x3e: {  	_ =	shalt  }
0x3f: {  	_ =	shalt  }
0x40: {  	_ =	shalt  }
0x41: {  	_ =	shalt  }
0x42: {  	_ =	shalt  }
0x43: {  	_ =	shalt  }
0x44: {  	_ =	shalt  }
0x45: {  	_ =	shalt  }
0x46: {  	_ =	shalt  }
0x47: {  	_ =	shalt  }
0x48: {  	_ =	shalt  }
0x49: {  	_ =	shalt  }
0x4a: {  	_ =	shalt  }
0x4b: {  	_ =	shalt  }
0x4c: {  	_ =	shalt  }
0x4d: {  	_ =	shalt  }
0x4e: {  	_ =	shalt  }
0x4f: {  	_ =	shalt  }
0x50: {  	_ =	shalt  }
0x51: {  	_ =	shalt  }
0x52: {  	_ =	shalt  }
0x53: {  	_ =	shalt  }
0x54: {  	_ =	shalt  }
0x55: {  	_ =	shalt  }
0x56: {  	_ =	shalt  }
0x57: {  	_ =	shalt  }
0x58: {  	_ =	shalt  }
0x59: {  	_ =	shalt  }
0x5a: {  	_ =	shalt  }
0x5b: {  	_ =	shalt  }
0x5c: {  	_ =	shalt  }
0x5d: {  	_ =	shalt  }
0x5e: {  	_ =	shalt  }
0x5f: {  	_ =	shalt  }
0x60: {  	_ =	shalt  }
0x61: {  	_ =	shalt  }
0x62: {  	_ =	shalt  }
0x63: {  	_ =	shalt  }
0x64: {  	_ =	shalt  }
0x65: {  	_ =	shalt  }
0x66: {  	_ =	shalt  }
0x67: {  	_ =	shalt  }
0x68: {  	_ =	shalt  }
0x69: {  	_ =	shalt  }
0x6a: {  	_ =	shalt  }
0x6b: {  	_ =	shalt  }
0x6c: {  	_ =	shalt  }
0x6d: {  	_ =	shalt  }
0x6e: {  	_ =	shalt  }
0x6f: {  	_ =	shalt  }
0x70: {  	_ =	shalt  }
0x71: {  	_ =	shalt  }
0x72: {  	_ =	shalt  }
0x73: {  	_ =	shalt  }
0x74: {  	_ =	shalt  }
0x75: {  	_ =	shalt  }
0x76: {  	_ =	shalt  }
0x77: {  	_ =	shalt  }
0x78: {  	_ =	shalt  }
0x79: {  	_ =	shalt  }
0x7a: {  	_ =	shalt  }
0x7b: {  	_ =	shalt  }
0x7c: {  	_ =	shalt  }
0x7d: {  	_ =	shalt  }
0x7e: {  	_ =	shalt  }
0x7f: {  	_ =	shalt  }
0x80: {  	_ =	shalt  }
0x81: {  	_ =	shalt  }
0x82: {  	_ =	shalt  }
0x83: {  	_ =	shalt  }
0x84: {  	_ =	shalt  }
0x85: {  	_ =	shalt  }
0x86: {  	_ =	shalt  }
0x87: {  	_ =	shalt  }
.Lfunc_end0:
.L_simem_size_0:
called_computation_lowered:
.L_overlay_start_0:
0x88: {  	s2 =	sld [smem:$0x3FD9]  }
0x89: {  	s3 =	sld [smem:$0x3FFE];
	_ =	sdelay $0x1  }
0x8a: {  	s1 =	srdreg.scid  }
0x8b: {  	s0 =	sand.u32 $0x1, s1  }
0x8c: {  	s17 =	sshll.u32 s0, $0xA;
	s2 =	sadd.s32 s3, s2  }
0x8d: {  	s2 =	sadd.s32 s2, s17  }
0x8e: {  	[smem:$0x3FB5] =	sst s2  }
0x8f: {  	_ = 	snop  }
0x90: {  	s2 =	sld [smem:$0x3FC9]  }
0x91: {  	s18 =	sld [smem:$0x3FC7]  }
0x92: {  	s4 =	sld [smem:$0x3FC4];
	(tm) =	ssettm $0x1  }
0x93: {  	s5 =	sld [smem:$0x3FFB];
	_ =	sdelay $0x3  }
0x94: {  	_ =	strace s5  }
0x95: {  	s5 =	sld [smem:$0x3FFC];
	_ =	sdelay $0x3  }
0x96: {  	_ =	strace s5  }
0x97: {  	s5 =	sld [smem:$0x3FFD];
	_ =	sdelay $0x3  }
0x98: {  	_ =	strace s5  }
0x99: {  	_ =	strace $0x8FFFFFFF  }
0x9a: {  	s19 =	sld [smem:$0x3FDB];
	_ =	sdelay $0x1  }
0x9b: {  	s6 =	simm.s32 $_scs_section_size  }
0x9c: {  	s7 =	simm.s32 $_size__tile_overlayer_lowered;
	s8 =	simm.s32 $_tile_overlayer_lowered  }
0x9d: {  	s22 =	simm.s32 $0x1BFF;
	s21 =	sshll.u32 s8, $0x1;
	s5 =	sadd.s32 s6, s19  }
0x9e: {  	s9 =	simm.s32 $0x0;
	s20 =	sshll.u32 s7, $0x1;
	s7 =	sadd.s32 s21, s5  }
0x9f: {  	[timem:s9], [sflag:s22] =	dma.local [hbm:s7], s20  }
0xa0: {  	_ =	swait.ge [sflag:s22], s20  }
0xa1: {  	s6 =	ssub.s32 $0x0, s20;
	[sflag:s22] =	ssyncset.done $0x0  }
0xa2: {  	[sflag:s22] =	ssyncadd.s32 s6;
	_ =	sdelay $0x1  }
0xa3: {  	s23 =	simm.s32 $0x1B8B  }
0xa4: {  	_ =	swait.ge [sflag:s23], $0x1  }
0xa5: {  	[sflag:s23] =	ssyncset.done $0x0  }
0xa6: {  	s25 =	simm.s32 $0x1B8E;
	s24 =	sld [smem:$0x3FFE];
	[sflag:s23] =	ssyncadd.s32 $0xFFFFFFFF  }
0xa7: {  	s26 =	simm.s32 $execute0_lowered;
	[smem:$0x3FD2] =	sst s25  }
0xa8: {  	s7 =	sshll.u32 s26, $0x1;
	_ =	strace $0x80000046;
	[dreg:$0x1] =	wrdreg $0xFFFFFFFF  }
0xa9: {  	s28 =	simm.s32 $_size_execute0_lowered;
	s5 =	sadd.s32 s5, s7;
	[dreg:$0x0] =	wrdreg $0x0  }
0xaa: {  	s7 =	sshll.u32 s28, $0x1;
	[dreg:$0x2] =	wrdreg s5  }
0xab: {  	[dreg:$0x3] =	wrdreg s7  }
0xac: {  	[dreg:$0x4] =	wrdreg $0xC0  }
0xad: {  	_ =	task [dreg:s9], $0x5FFFF  }
0xae: {  	[dreg:$0x1] =	wrdreg $0xFFFFFFFF  }
0xaf: {  	[dreg:$0x0] =	wrdreg $0x60  }
0xb0: {  	[dreg:$0x2] =	wrdreg s2  }
0xb1: {  	[dreg:$0x3] =	wrdreg s18  }
0xb2: {  	[dreg:$0x4] =	wrdreg s4  }
0xb3: {  	[dreg:$0x5] =	wrdreg s24  }
0xb4: {  	[dreg:$0x6] =	wrdreg $0x9  }
0xb5: {  	_ =	task.clear_ibuf [dreg:s9], $0x7FFFF;
	_ =	strace $0x90000046  }
0xb6: {  	s29 =	simm.s32 $0x9;
	_ =	strace $0x80000048  }
0xb7: {  	_ =	swait.ge [sflag:s29], $0x1  }
0xb8: {  	[sflag:s29] =	ssyncadd.s32 $0xFFFFFFFF  }
0xb9: {  	_ =	strace $0x90000048  }
0xba: {  	_ =	sfence  }
0xbb: {  	s30 =	sld [smem:$0x0];
	_ =	sdelay $0x2  }
0xbc: {  	s31 =	sshll.u32 s1, $0xD;
	s1 =	sshrl.u32 s1, $0x2  }
0xbd: {  	s3 =	sand.u32 $0x4000, s31;
	s1 =	sadd.s32 s1, s30  }
0xbe: {  	s0 =	sor.u32 s3, s0;
	s1 =	sshll.u32 s1, $0x11  }
0xbf: {  	s0 =	sor.u32 s1, s0  }
0xc0: {  	s0 =	sadd.s32 $0x8F2B, s0  }
0xc1: {  	[sflag:s0] =	ssyncadd.remote.s32 $0x1  }
0xc2: {  	_ =	sfence.sel $0xFFFF  }
0xc3: {  	[dreg:$0x0] =	wrdreg $0xFFFFFFFF;
	(pc) =	sbr.abs _section_cstart, $3  }
0xc4: {  	[dreg:$0x1] =	wrdreg $0xFFFFFFFF  }
0xc5: {  	_ =	task.clear_ibuf [dreg:s9], $0x2FFFF;
	_ =	strace $0x9FFFFFFF  }
0xc6: {  	(tm) =	ssettm $0x7FFFFFFF  }
0xc7: {  	_ =	shalt  }
tec
execute0_lowered:
.L_overlay_start_1:
0x0: {  	(tag) =	ssettag $0x1  }
0x1: {  	s4 =	rddreg [dreg:$0x0]  }
0x2: {  	s6 =	rddreg [dreg:$0x1];
	s1 =	srdreg.scid  }
0x3: {  	s2 =	rddreg [dreg:$0x2];
	s0 =	stileid.u32;
	s23 =	sand.u32 $0x1, s1  }
0x4: {  	s18 =	rddreg [dreg:$0x3];
	s5 =	sshll.u32 s0, $0xA;
	s7 =	sshll.u32 s23, $0x9  }
0x5: {  	s3 =	simm.s32 $0x0;
	s1 =	rddreg [dreg:$0x4];
	s17 =	sor.u32 s7, s5  }
0x6: {  	[smem:$0x7FF] =	sst s3;
	s7 =	sshrl.u32 s17, $0x3  }
0x7: {  	_ =	strace $0x80000047;
	s5 =	sadd.s32 s4, s7;
	s4 =	simm.s32 $0x3  }
0x8: {  	[tilespmem:s3], [sflag:$0x3] =	stream.linear.gather [hbm4b:s5+s3], $0x200, $0x38;
	[tilespmem:$0x10400] =	vst v63  }
0x9: {  	_ =	swait.ge [sflag:s4], $0x200  }
0xa: {  	[sflag:s4] =	ssyncset.done $0x0  }
0xb: {  	s6 =	sadd.s32 s6, s7;
	s7 =	simm.s32 $0x200;
	[sflag:s4] =	ssyncadd.s32 $0xFFFFFE00  }
0xc: {  	[tilespmem:s7], [sflag:$0x3] =	stream.linear.gather [hbm4b:s6+s3], $0x200, $0x38;
	[tilespmem:$0x10400] =	vst v63  }
0xd: {  	_ =	swait.ge [sflag:s4], $0x200  }
0xe: {  	[sflag:s4] =	ssyncset.done $0x0  }
0xf: {  	s8 =	simm.s32 $0x80;
	s9 =	simm.s32 $0x400;
	[sflag:s4] =	ssyncadd.s32 $0xFFFFFE00  }
0x10: {  	[tilespmem:s9], [sflag:$0x1] =	stream.indirect.gather [hbm4b:s2+s8], $0x80, s3, s8, $0xb8;
	[tilespmem:$0x10400] =	vst v63  }
0x11: {  	s11 =	simm.s32 $0x8400;
	s10 =	sadd.s32 $0x2A00, s18  }
0x12: {  	[tilespmem:s11], [sflag:$0x2] =	stream.indirect.gather [hbm4b:s10+s8], $0x80, s7, s8, $0xb8;
	[tilespmem:$0x10400] =	vst v63  }
0x13: {  	s12 =	simm.s32 $0x4400  }
0x14: {  	[tilespmem:s12], [sflag:$0x1] =	stream.indirect.gather [hbm4b:s2+s8], $0x80, s8, s8, $0xb8;
	[tilespmem:$0x10400] =	vst v63  }
0x15: {  	s13 =	simm.s32 $0x280;
	s14 =	simm.s32 $0xC400;
	s15 =	simm.s32 $0x1  }
0x16: {  	[tilespmem:s14], [sflag:$0x2] =	stream.indirect.gather [hbm4b:s10+s8], $0x80, s13, s8, $0xb8;
	[tilespmem:$0x10400] =	vst v63  }
0x17: {  	_ =	swait.ge [sflag:s15], $0x4000  }
0x18: {  	[sflag:s15] =	ssyncset.done $0x0  }
0x19: {  	s16 =	simm.s32 $0x2;
	[sflag:s15] =	ssyncadd.s32 $0xFFFFC000  }
0x1a: {  	_ =	swait.ge [sflag:s16], $0x4000  }
0x1b: {  	[sflag:s16] =	ssyncset.done $0x0  }
0x1c: {  	[sflag:s16] =	ssyncadd.s32 $0xFFFFC000  }
0x1d: {  	_ =	swait.ge [sflag:s15], $0x4000  }
0x1e: {  	[sflag:s15] =	ssyncset.done $0x0  }
0x1f: {  	[sflag:s15] =	ssyncadd.s32 $0xFFFFC000  }
0x20: {  	_ =	swait.ge [sflag:s16], $0x4000  }
0x21: {  	s24 =	sadd.s32 $0x6A00, s18;
	s25 =	sshll.u32 s17, $0x4;
	[sflag:s16] =	ssyncset.done $0x0  }
0x22: {  	s17 =	sadd.s32 s24, s25;
	[sflag:s16] =	ssyncadd.s32 $0xFFFFC000  }
0x23: {  	[hbm4b:s17+s3] =	stream.linear.scatter [tilespmem:s9], [sflag:$0x3], $0x8000, $0x38;
	[tilespmem:$0x10400] =	vst v63  }
0x24: {  	_ =	swait.ge [sflag:s4], $0x8000  }
0x25: {  	s26 =	sadd.s32 $0x46A00, s18;
	[sflag:s4] =	ssyncset.done $0x0  }
0x26: {  	s18 =	sadd.s32 s26, s25;
	[sflag:s4] =	ssyncadd.s32 $0xFFFF8000  }
0x27: {  	[hbm4b:s18+s3] =	stream.linear.scatter [tilespmem:s11], [sflag:$0x3], $0x8000, $0x38;
	[tilespmem:$0x10400] =	vst v63  }
0x28: {  	_ =	swait.ge [sflag:s4], $0x8000  }
0x29: {  	[sflag:s4] =	ssyncset.done $0x0  }
0x2a: {  	s19 =	simm.s32 $0x100;
	[sflag:s4] =	ssyncadd.s32 $0xFFFF8000  }
0x2b: {  	[tilespmem:s9], [sflag:$0x1] =	stream.indirect.gather [hbm4b:s2+s8], $0x80, s19, s8, $0xb8;
	[tilespmem:$0x10400] =	vst v63  }
0x2c: {  	s20 =	simm.s32 $0x300  }
0x2d: {  	[tilespmem:s11], [sflag:$0x2] =	stream.indirect.gather [hbm4b:s10+s8], $0x80, s20, s8, $0xb8;
	[tilespmem:$0x10400] =	vst v63  }
0x2e: {  	s21 =	simm.s32 $0x180  }
0x2f: {  	[tilespmem:s12], [sflag:$0x1] =	stream.indirect.gather [hbm4b:s2+s8], $0x80, s21, s8, $0xb8;
	[tilespmem:$0x10400] =	vst v63  }
0x30: {  	s22 =	simm.s32 $0x380  }
0x31: {  	[tilespmem:s14], [sflag:$0x2] =	stream.indirect.gather [hbm4b:s10+s8], $0x80, s22, s8, $0xb8;
	[tilespmem:$0x10400] =	vst v63  }
0x32: {  	_ =	swait.ge [sflag:s15], $0x4000  }
0x33: {  	[sflag:s15] =	ssyncset.done $0x0  }
0x34: {  	[sflag:s15] =	ssyncadd.s32 $0xFFFFC000  }
0x35: {  	_ =	swait.ge [sflag:s16], $0x4000  }
0x36: {  	[sflag:s16] =	ssyncset.done $0x0  }
0x37: {  	[sflag:s16] =	ssyncadd.s32 $0xFFFFC000  }
0x38: {  	_ =	swait.ge [sflag:s15], $0x4000  }
0x39: {  	[sflag:s15] =	ssyncset.done $0x0  }
0x3a: {  	s28 =	ssub.s32 $0x2, s23;
	[sflag:s15] =	ssyncadd.s32 $0xFFFFC000  }
0x3b: {  	s30 =	sshrl.u32 s28, $0x1;
	_ =	swait.ge [sflag:s16], $0x4000  }
0x3c: {  	s28 =	ssub.s32 s28, s30;
	s25 =	sor.u32 $0x1000, s25;
	[sflag:s16] =	ssyncset.done $0x0  }
0x3d: {  	s31 =	smax.u32 s28, $0x1;
	s23 =	sadd.s32 s24, s25;
	[sflag:s16] =	ssyncadd.s32 $0xFFFFC000  }
0x3e: {  	[hbm4b:s23+s3] =	stream.linear.scatter [tilespmem:s9], [sflag:$0x3], $0x8000, $0x38;
	[tilespmem:$0x10400] =	vst v63  }
0x3f: {  	p0 =	sne.s32 s31, $0x1;
	_ =	swait.ge [sflag:s4], $0x8000  }
.Ltmp0:
0x40: {  	[sflag:s4] =	ssyncset.done $0x0;
	(pc) =	sbr.rel @!p0 .LBB2_2-.Ltmp0, $4  }
0x41: {  	s24 =	sadd.s32 s26, s25;
	[sflag:s4] =	ssyncadd.s32 $0xFFFF8000  }
0x42: {  	[hbm4b:s24+s3] =	stream.linear.scatter [tilespmem:s11], [sflag:$0x3], $0x8000, $0x38;
	[tilespmem:$0x10400] =	vst v63  }
0x43: {  	_ =	swait.ge [sflag:s4], $0x8000  }
0x44: {  	s25 =	sadd.s32 $0xFFFFFFFF, s31;
	[sflag:s4] =	ssyncset.done $0x0  }
.LBB2_1:
0x45: {  	p0 =	sne.s32 s25, $0x1;
	s25 =	sadd.s32 $0xFFFFFFFF, s25;
	[sflag:s4] =	ssyncadd.s32 $0xFFFF8000  }
0x46: {  	[tilespmem:s3], [sflag:$0x3] =	stream.linear.gather [hbm4b:s5+s3], $0x200, $0x38;
	[tilespmem:$0x10400] =	vst v63  }
0x47: {  	_ =	swait.ge [sflag:s4], $0x200  }
0x48: {  	[sflag:s4] =	ssyncset.done $0x0  }
0x49: {  	[sflag:s4] =	ssyncadd.s32 $0xFFFFFE00  }
0x4a: {  	[tilespmem:s7], [sflag:$0x3] =	stream.linear.gather [hbm4b:s6+s3], $0x200, $0x38;
	[tilespmem:$0x10400] =	vst v63  }
0x4b: {  	_ =	swait.ge [sflag:s4], $0x200  }
0x4c: {  	[sflag:s4] =	ssyncset.done $0x0  }
0x4d: {  	[sflag:s4] =	ssyncadd.s32 $0xFFFFFE00  }
0x4e: {  	[tilespmem:s9], [sflag:$0x1] =	stream.indirect.gather [hbm4b:s2+s8], $0x80, s3, s8, $0xb8;
	[tilespmem:$0x10400] =	vst v63  }
0x4f: {  	_ = 	snop  }
0x50: {  	[tilespmem:s11], [sflag:$0x2] =	stream.indirect.gather [hbm4b:s10+s8], $0x80, s7, s8, $0xb8;
	[tilespmem:$0x10400] =	vst v63  }
0x51: {  	_ = 	snop  }
0x52: {  	[tilespmem:s12], [sflag:$0x1] =	stream.indirect.gather [hbm4b:s2+s8], $0x80, s8, s8, $0xb8;
	[tilespmem:$0x10400] =	vst v63  }
0x53: {  	_ = 	snop  }
0x54: {  	[tilespmem:s14], [sflag:$0x2] =	stream.indirect.gather [hbm4b:s10+s8], $0x80, s13, s8, $0xb8;
	[tilespmem:$0x10400] =	vst v63  }
0x55: {  	_ =	swait.ge [sflag:s15], $0x4000  }
0x56: {  	[sflag:s15] =	ssyncset.done $0x0  }
0x57: {  	[sflag:s15] =	ssyncadd.s32 $0xFFFFC000  }
0x58: {  	_ =	swait.ge [sflag:s16], $0x4000  }
0x59: {  	[sflag:s16] =	ssyncset.done $0x0  }
0x5a: {  	[sflag:s16] =	ssyncadd.s32 $0xFFFFC000  }
0x5b: {  	_ =	swait.ge [sflag:s15], $0x4000  }
0x5c: {  	[sflag:s15] =	ssyncset.done $0x0  }
0x5d: {  	[sflag:s15] =	ssyncadd.s32 $0xFFFFC000  }
0x5e: {  	_ =	swait.ge [sflag:s16], $0x4000  }
0x5f: {  	[sflag:s16] =	ssyncset.done $0x0  }
0x60: {  	[sflag:s16] =	ssyncadd.s32 $0xFFFFC000  }
0x61: {  	[hbm4b:s17+s3] =	stream.linear.scatter [tilespmem:s9], [sflag:$0x3], $0x8000, $0x38;
	[tilespmem:$0x10400] =	vst v63  }
0x62: {  	_ =	swait.ge [sflag:s4], $0x8000  }
0x63: {  	[sflag:s4] =	ssyncset.done $0x0  }
0x64: {  	[sflag:s4] =	ssyncadd.s32 $0xFFFF8000  }
0x65: {  	[hbm4b:s18+s3] =	stream.linear.scatter [tilespmem:s11], [sflag:$0x3], $0x8000, $0x38;
	[tilespmem:$0x10400] =	vst v63  }
0x66: {  	_ =	swait.ge [sflag:s4], $0x8000  }
0x67: {  	[sflag:s4] =	ssyncset.done $0x0  }
0x68: {  	[sflag:s4] =	ssyncadd.s32 $0xFFFF8000  }
0x69: {  	[tilespmem:s9], [sflag:$0x1] =	stream.indirect.gather [hbm4b:s2+s8], $0x80, s19, s8, $0xb8;
	[tilespmem:$0x10400] =	vst v63  }
0x6a: {  	_ = 	snop  }
0x6b: {  	[tilespmem:s11], [sflag:$0x2] =	stream.indirect.gather [hbm4b:s10+s8], $0x80, s20, s8, $0xb8;
	[tilespmem:$0x10400] =	vst v63  }
0x6c: {  	_ = 	snop  }
0x6d: {  	[tilespmem:s12], [sflag:$0x1] =	stream.indirect.gather [hbm4b:s2+s8], $0x80, s21, s8, $0xb8;
	[tilespmem:$0x10400] =	vst v63  }
0x6e: {  	_ = 	snop  }
0x6f: {  	[tilespmem:s14], [sflag:$0x2] =	stream.indirect.gather [hbm4b:s10+s8], $0x80, s22, s8, $0xb8;
	[tilespmem:$0x10400] =	vst v63  }
0x70: {  	_ =	swait.ge [sflag:s15], $0x4000  }
0x71: {  	[sflag:s15] =	ssyncset.done $0x0  }
0x72: {  	[sflag:s15] =	ssyncadd.s32 $0xFFFFC000  }
0x73: {  	_ =	swait.ge [sflag:s16], $0x4000  }
0x74: {  	[sflag:s16] =	ssyncset.done $0x0  }
0x75: {  	[sflag:s16] =	ssyncadd.s32 $0xFFFFC000  }
0x76: {  	_ =	swait.ge [sflag:s15], $0x4000  }
0x77: {  	[sflag:s15] =	ssyncset.done $0x0  }
0x78: {  	[sflag:s15] =	ssyncadd.s32 $0xFFFFC000  }
0x79: {  	_ =	swait.ge [sflag:s16], $0x4000  }
0x7a: {  	[sflag:s16] =	ssyncset.done $0x0  }
0x7b: {  	[sflag:s16] =	ssyncadd.s32 $0xFFFFC000  }
0x7c: {  	[hbm4b:s23+s3] =	stream.linear.scatter [tilespmem:s9], [sflag:$0x3], $0x8000, $0x38;
	[tilespmem:$0x10400] =	vst v63  }
0x7d: {  	_ =	swait.ge [sflag:s4], $0x8000  }
.Ltmp1:
0x7e: {  	[sflag:s4] =	ssyncset.done $0x0;
	(pc) =	sbr.rel @p0 .LBB2_1-.Ltmp1, $4  }
0x7f: {  	[sflag:s4] =	ssyncadd.s32 $0xFFFF8000  }
0x80: {  	[hbm4b:s24+s3] =	stream.linear.scatter [tilespmem:s11], [sflag:$0x3], $0x8000, $0x38;
	[tilespmem:$0x10400] =	vst v63  }
0x81: {  	_ =	swait.ge [sflag:s4], $0x8000  }
0x82: {  	[sflag:s4] =	ssyncset.done $0x0  }
.LBB2_2:
0x83: {  	[sflag:s4] =	ssyncadd.s32 $0xFFFF8000  }
0x84: {  	_ =	sfence.sel $0x180000  }
0x85: {  	[bflag:$0x0] =	sbarrier.arrive $0xFFFF  }
0x86: {  	p0 =	sne.s32 s0, $0x0;
	_ =	strace $0x90000047  }
0x87: {  	s0 =	sadd.s32 @!p0 $0x100000, s1;
	[bflag:$0x2] =	sbarrier.arrive $0xFFFF  }
0x88: {  	[sflag:s0] =	ssyncadd.tile.s32 @!p0 $0x1;
	_ =	shalt  }
.Lfunc_end2:
_tile_overlayer_lowered:
.L_overlay_start_2:
0x89: {  	(tag) =	ssettag $0x2  }
0x8a: {  	s0 =	rddreg [dreg:$0x0];
	s2 =	stileid.u32  }
0x8b: {  	s1 =	rddreg [dreg:$0x1];
	p0 =	sne.s32 s2, $0x0  }
0x8c: {  	s3 =	rddreg [dreg:$0x2];
	[bflag:$0x3] =	sbarrier.arrive $0xFFFF;
	s2 =	simm.s32 @!p0 $0x1C03  }
0x8d: {  	[timem:s3], [sflag:s2] =	dma.local @!p0 [hbm:s0], s1  }
0x8e: {  	s0 =	simm.s32 @!p0 $0x3  }
0x8f: {  	_ =	swait.ge @!p0 [sflag:s0], s1  }
0x90: {  	s1 =	ssub.s32 @!p0 $0x0, s1;
	[sflag:s0] =	ssyncset.done @!p0 $0x0  }
0x91: {  	[sflag:s0] =	ssyncadd.s32 @!p0 s1  }
0x92: {  	[bflag:$0x3] =	sbarrier.arrive $0xFFFF  }
0x93: {  	_ =	shalt  }

// kernel: kernel.8.cloned.1.call-start
scs
__scs_entry_jumppad:
0x0: {  	(pc) =	sbr.rel $0x88, $3  }
0x1: {  	(tag) =	ssettag $0x0;
	lr =	simm.s32 $0x1  }
0x2: {  	[smem:$0x3F8E] =	sst lr;
	_ =	strace $0xD0000000  }
0x3: {  	_ = 	snop  }
0x4: {  	_ = 	snop  }
0x5: {  	_ = 	snop  }
0x6: {  	_ = 	snop  }
0x7: {  	_ = 	snop  }
__scs_overlays_trampoline_lowered:
0x8: {  	[smem:$0x3F9D] =	sst s0  }
0x9: {  	[smem:$0x3F9E] =	sst s1  }
0xa: {  	[smem:$0x3F9F] =	sst s2  }
0xb: {  	[smem:$0x3FA0] =	sst s3  }
0xc: {  	[smem:$0x3FA1] =	sst s4  }
0xd: {  	[smem:$0x3FA2] =	sst s5  }
0xe: {  	[smem:$0x3FA3] =	sst s6  }
0xf: {  	[smem:$0x3FA4] =	sst s7  }
0x10: {  	[smem:$0x3FA5] =	sst s8  }
0x11: {  	[smem:$0x3FA6] =	sst s9;
	s0 =	simm.s32 @!p0 $0x0  }
0x12: {  	s1 =	sld [smem:$0x3F8C];
	s0 =	simm.s32 @p0 $0x1  }
0x13: {  	[smem:$0x3FA7] =	sst s0;
	s0 =	simm.s32 @!p1 $0x0  }
0x14: {  	s2 =	sld [smem:$0x3F8B];
	s0 =	simm.s32 @p1 $0x1  }
0x15: {  	[smem:$0x3FA8] =	sst s0;
	s0 =	simm.s32 @!p2 $0x0  }
0x16: {  	s3 =	sld [smem:$0x3FDB];
	s0 =	simm.s32 @p2 $0x1  }
0x17: {  	s4 =	simm.s32 $0x1BF5;
	[smem:$0x3FAA] =	sst s0  }
0x18: {  	s0 =	sld [smem:$0x3F8D];
	_ =	swait.ge [sflag:s4], $0x0  }
0x19: {  	s7 =	sld [smem:$0x3F8E]  }
0x1a: {  	s8 =	sadd.s32 $0xFFFFE003, lr  }
0x1b: {  	s9 =	sadd.s32 $0xFFFFFEF7, lr;
	s5 =	simm.s32 $0xFFFFFFFF;
	p2 =	slt.u32 s8, $0xFFFFF086  }
0x1c: {  	p1 =	slt.u32 s9, $0xF7A;
	s5 =	simm.s32 @!p2 $0x0  }
0x1d: {  	s5 =	simm.s32 @p1 $0x1;
	p0 =	seq.s32 s7, s2  }
0x1e: {  	s7 =	smul.u32 @!p0 $0xF7A, s2;
	p2 =	seq.s32 @!p0 s5, $0x0  }
0x1f: {  	s9 =	smul.u32 $0xF7A, s1;
	s8 =	simm.s32 @!p0 $0x1BF5;
	p2 =	por !p2, p0  }
0x20: {  	[sflag:s8] =	ssyncset.s32 @!p0 $0xFFFFF086;
	s6 =	sadd.s32 @!p0 s3, s7;
	s7 =	simm.s32 @!p0 $0x108  }
0x21: {  	s3 =	sadd.s32 s3, s9;
	s6 =	sadd.s32 @!p0 $0x88, s6;
	s7 =	simm.s32 @p2 $0x1082  }
0x22: {  	[simem:s7], [sflag:s8] =	dma.local @!p0 [hbm:s6], $0xF7A  }
0x23: {  	s9 =	sor.u32 $0xD0000000, s2;
	s6 =	simm.s32 $0x108;
	_ =	swait.ge @!p0 [sflag:s8], $0x0  }
0x24: {  	s3 =	sadd.s32 $0x88, s3;
	s6 =	simm.s32 @!p1 $0x1082;
	[sflag:s4] =	ssyncset.s32 $0xFFFFF086  }
0x25: {  	[simem:s6], [sflag:s4] =	dma.local [hbm:s3], $0xF7A  }
0x26: {  	[smem:$0x3F8E] =	sst s1;
	(tag) =	ssettag s2;
	_ =	strace s9  }
0x27: {  	s1 =	sld [smem:$0x3F9E]  }
0x28: {  	s2 =	sld [smem:$0x3F9F]  }
0x29: {  	s4 =	sld [smem:$0x3FA1]  }
0x2a: {  	p0 =	seq.s32 s5, $0x0;
	s5 =	sld [smem:$0x3FA2]  }
0x2b: {  	s6 =	sld [smem:$0x3FA3]  }
0x2c: {  	s7 =	sld [smem:$0x3FA4]  }
0x2d: {  	s3 =	simm.s32 $0x108;
	s8 =	sld [smem:$0x3FA5]  }
0x2e: {  	s3 =	simm.s32 @!p0 $0x1082;
	s9 =	sld [smem:$0x3FA6]  }
0x2f: {  	lr =	sadd.s32 s0, s3;
	s0 =	sld [smem:$0x3F9D]  }
0x30: {  	s3 =	sld [smem:$0x3FA0]  }
0x31: {  	[smem:$0x3FA9] =	sst s10  }
0x32: {  	s10 =	sld [smem:$0x3FA7];
	_ =	sdelay $0x3  }
0x33: {  	p0 =	seq.s32 s10, $0x1;
	s10 =	sld [smem:$0x3FA9];
	_ =	sdelay $0x3  }
0x34: {  	[smem:$0x3FA9] =	sst s10  }
0x35: {  	s10 =	sld [smem:$0x3FA8];
	_ =	sdelay $0x3  }
0x36: {  	p1 =	seq.s32 s10, $0x1;
	s10 =	sld [smem:$0x3FA9];
	_ =	sdelay $0x3  }
0x37: {  	[smem:$0x3FA9] =	sst s10  }
0x38: {  	s10 =	sld [smem:$0x3FAA]  }
0x39: {  	_ = 	snop;
	(pc) =	sbr.ind lr, $3  }
0x3a: {  	_ = 	snop  }
0x3b: {  	_ = 	snop  }
0x3c: {  	p2 =	seq.s32 s10, $0x1;
	s10 =	sld [smem:$0x3FA9]  }
0x3d: {  	_ =	shalt  }
0x3e: {  	_ =	shalt  }
0x3f: {  	_ =	shalt  }
0x40: {  	_ =	shalt  }
0x41: {  	_ =	shalt  }
0x42: {  	_ =	shalt  }
0x43: {  	_ =	shalt  }
0x44: {  	_ =	shalt  }
0x45: {  	_ =	shalt  }
0x46: {  	_ =	shalt  }
0x47: {  	_ =	shalt  }
0x48: {  	_ =	shalt  }
0x49: {  	_ =	shalt  }
0x4a: {  	_ =	shalt  }
0x4b: {  	_ =	shalt  }
0x4c: {  	_ =	shalt  }
0x4d: {  	_ =	shalt  }
0x4e: {  	_ =	shalt  }
0x4f: {  	_ =	shalt  }
0x50: {  	_ =	shalt  }
0x51: {  	_ =	shalt  }
0x52: {  	_ =	shalt  }
0x53: {  	_ =	shalt  }
0x54: {  	_ =	shalt  }
0x55: {  	_ =	shalt  }
0x56: {  	_ =	shalt  }
0x57: {  	_ =	shalt  }
0x58: {  	_ =	shalt  }
0x59: {  	_ =	shalt  }
0x5a: {  	_ =	shalt  }
0x5b: {  	_ =	shalt  }
0x5c: {  	_ =	shalt  }
0x5d: {  	_ =	shalt  }
0x5e: {  	_ =	shalt  }
0x5f: {  	_ =	shalt  }
0x60: {  	_ =	shalt  }
0x61: {  	_ =	shalt  }
0x62: {  	_ =	shalt  }
0x63: {  	_ =	shalt  }
0x64: {  	_ =	shalt  }
0x65: {  	_ =	shalt  }
0x66: {  	_ =	shalt  }
0x67: {  	_ =	shalt  }
0x68: {  	_ =	shalt  }
0x69: {  	_ =	shalt  }
0x6a: {  	_ =	shalt  }
0x6b: {  	_ =	shalt  }
0x6c: {  	_ =	shalt  }
0x6d: {  	_ =	shalt  }
0x6e: {  	_ =	shalt  }
0x6f: {  	_ =	shalt  }
0x70: {  	_ =	shalt  }
0x71: {  	_ =	shalt  }
0x72: {  	_ =	shalt  }
0x73: {  	_ =	shalt  }
0x74: {  	_ =	shalt  }
0x75: {  	_ =	shalt  }
0x76: {  	_ =	shalt  }
0x77: {  	_ =	shalt  }
0x78: {  	_ =	shalt  }
0x79: {  	_ =	shalt  }
0x7a: {  	_ =	shalt  }
0x7b: {  	_ =	shalt  }
0x7c: {  	_ =	shalt  }
0x7d: {  	_ =	shalt  }
0x7e: {  	_ =	shalt  }
0x7f: {  	_ =	shalt  }
0x80: {  	_ =	shalt  }
0x81: {  	_ =	shalt  }
0x82: {  	_ =	shalt  }
0x83: {  	_ =	shalt  }
0x84: {  	_ =	shalt  }
0x85: {  	_ =	shalt  }
0x86: {  	_ =	shalt  }
0x87: {  	_ =	shalt  }
.Lfunc_end0:
.L_simem_size_0:
called_computation.1_lowered:
.L_overlay_start_0:
0x88: {  	s2 =	sld [smem:$0x3FD9]  }
0x89: {  	s3 =	sld [smem:$0x3FFE];
	_ =	sdelay $0x1  }
0x8a: {  	s1 =	srdreg.scid  }
0x8b: {  	s0 =	sand.u32 $0x1, s1  }
0x8c: {  	s17 =	sshll.u32 s0, $0xA;
	s2 =	sadd.s32 s3, s2  }
0x8d: {  	s2 =	sadd.s32 s2, s17  }
0x8e: {  	[smem:$0x3FB5] =	sst s2  }
0x8f: {  	_ = 	snop  }
0x90: {  	s4 =	sld [smem:$0x3FC8]  }
0x91: {  	s18 =	sld [smem:$0x3FD0];
	(tm) =	ssettm $0x1  }
0x92: {  	s19 =	sld [smem:$0x3FFB];
	_ =	sdelay $0x3  }
0x93: {  	_ =	strace s19  }
0x94: {  	s2 =	sld [smem:$0x3FFC];
	_ =	sdelay $0x3  }
0x95: {  	_ =	strace s2  }
0x96: {  	s2 =	sld [smem:$0x3FFD];
	_ =	sdelay $0x3  }
0x97: {  	_ =	strace s2  }
0x98: {  	_ =	strace $0x8FFFFFFF  }
0x99: {  	s20 =	sld [smem:$0x3FDB];
	_ =	sdelay $0x1  }
0x9a: {  	s5 =	simm.s32 $_scs_section_size  }
0x9b: {  	s6 =	simm.s32 $_size__tile_overlayer_lowered;
	s7 =	simm.s32 $_tile_overlayer_lowered  }
0x9c: {  	s8 =	simm.s32 $0x1BFF;
	s21 =	sshll.u32 s7, $0x1;
	s5 =	sadd.s32 s5, s20  }
0x9d: {  	s22 =	simm.s32 $0x0;
	s6 =	sshll.u32 s6, $0x1;
	s7 =	sadd.s32 s21, s5  }
0x9e: {  	[timem:s22], [sflag:s8] =	dma.local [hbm:s7], s6  }
0x9f: {  	_ =	swait.ge [sflag:s8], s6  }
0xa0: {  	s6 =	ssub.s32 $0x0, s6;
	[sflag:s8] =	ssyncset.done $0x0  }
0xa1: {  	[sflag:s8] =	ssyncadd.s32 s6;
	_ =	sdelay $0x1  }
0xa2: {  	s23 =	simm.s32 $0x1B8B  }
0xa3: {  	_ =	swait.ge [sflag:s23], $0x1  }
0xa4: {  	[sflag:s23] =	ssyncset.done $0x0  }
0xa5: {  	[sflag:s23] =	ssyncadd.s32 $0xFFFFFFFF  }
0xa6: {  	s6 =	sld [smem:$0x0]  }
0xa7: {  	s7 =	sand.u32 $0xFFFFFFFE, s1  }
0xa8: {  	p0 =	sne.s32 s1, s7  }
0xa9: {  	s7 =	sshll.u32 @p0 s7, $0xE  }
0xaa: {  	s7 =	sadd.s32 @p0 $0x11B8D, s7;
	s8 =	sshll.u32 @p0 s6, $0x11  }
0xab: {  	s7 =	sor.u32 @p0 s8, s7  }
0xac: {  	[sflag:s7] =	ssyncadd.remote.s32 @p0 $0x1;
	_ =	sdelay $0x1  }
0xad: {  	s7 =	simm.s32 @p0 $0x1B8D  }
0xae: {  	_ =	swait.eq @p0 [sflag:s7], $0x1  }
0xaf: {  	[sflag:s7] =	ssyncadd.s32 @p0 $0xFFFFFFFF  }
0xb0: {  	s8 =	sshll.u32 @!p0 s1, $0xE  }
0xb1: {  	s8 =	sor.u32 @!p0 $0x4000, s8;
	s7 =	simm.s32 @!p0 $0x1B8D  }
0xb2: {  	s6 =	sshll.u32 @!p0 s6, $0x11;
	s8 =	sadd.s32 @!p0 $0x11B8D, s8;
	_ =	swait.eq @!p0 [sflag:s7], $0x1  }
0xb3: {  	s6 =	sor.u32 @!p0 s6, s8;
	[sflag:s7] =	ssyncadd.s32 @!p0 $0xFFFFFFFF  }
0xb4: {  	s25 =	simm.s32 $0x1B8E;
	s24 =	sld [smem:$0x3FFE];
	[sflag:s6] =	ssyncadd.remote.s32 @!p0 $0x1  }
0xb5: {  	s26 =	simm.s32 $execute0_lowered;
	[smem:$0x3FD2] =	sst s25  }
0xb6: {  	s7 =	sshll.u32 s26, $0x1;
	_ =	strace $0x80000049;
	[dreg:$0x1] =	wrdreg $0xFFFFFFFF  }
0xb7: {  	s28 =	simm.s32 $_size_execute0_lowered;
	s5 =	sadd.s32 s5, s7;
	[dreg:$0x0] =	wrdreg $0x0  }
0xb8: {  	s7 =	sshll.u32 s28, $0x1;
	[dreg:$0x2] =	wrdreg s5  }
0xb9: {  	[dreg:$0x3] =	wrdreg s7  }
0xba: {  	[dreg:$0x4] =	wrdreg $0xC0  }
0xbb: {  	_ =	task [dreg:s22], $0x5FFFF  }
0xbc: {  	[dreg:$0x1] =	wrdreg $0xFFFFFFFF  }
0xbd: {  	[dreg:$0x0] =	wrdreg $0x60  }
0xbe: {  	[dreg:$0x2] =	wrdreg s4  }
0xbf: {  	[dreg:$0x3] =	wrdreg s24  }
0xc0: {  	[dreg:$0x4] =	wrdreg s18  }
0xc1: {  	[dreg:$0x5] =	wrdreg $0xA  }
0xc2: {  	_ =	task.clear_ibuf [dreg:s22], $0x6FFFF;
	_ =	strace $0x90000049  }
0xc3: {  	s29 =	simm.s32 $0xA;
	_ =	strace $0x8000004B  }
0xc4: {  	_ =	swait.ge [sflag:s29], $0x1  }
0xc5: {  	[sflag:s29] =	ssyncadd.s32 $0xFFFFFFFF  }
0xc6: {  	_ =	strace $0x9000004B  }
0xc7: {  	_ =	sfence  }
0xc8: {  	s30 =	sld [smem:$0x0];
	_ =	sdelay $0x2  }
0xc9: {  	s31 =	sshll.u32 s1, $0xD;
	s1 =	sshrl.u32 s1, $0x2  }
0xca: {  	s4 =	sand.u32 $0x4000, s31;
	s1 =	sadd.s32 s1, s30  }
0xcb: {  	s0 =	sor.u32 s4, s0;
	s1 =	sshll.u32 s1, $0x11  }
0xcc: {  	s0 =	sor.u32 s1, s0  }
0xcd: {  	s0 =	sadd.s32 $0x8F2B, s0  }
0xce: {  	[sflag:s0] =	ssyncadd.remote.s32 $0x1  }
0xcf: {  	_ =	sfence.sel $0xFFFF  }
0xd0: {  	[dreg:$0x0] =	wrdreg $0xFFFFFFFF;
	(pc) =	sbr.abs _section_cstart, $3  }
0xd1: {  	[dreg:$0x1] =	wrdreg $0xFFFFFFFF  }
0xd2: {  	_ =	task.clear_ibuf [dreg:s22], $0x2FFFF;
	_ =	strace $0x9FFFFFFF  }
0xd3: {  	(tm) =	ssettm $0x7FFFFFFF  }
tec
execute0_lowered:
.L_overlay_start_1:
0x0: {  	(tag) =	ssettag $0x1  }
0x1: {  	s3 =	rddreg [dreg:$0x0];
	s1 =	srdreg.scid  }
0x2: {  	s5 =	rddreg [dreg:$0x1];
	s0 =	stileid.u32;
	s14 =	sand.u32 $0x1, s1  }
0x3: {  	s15 =	rddreg [dreg:$0x2];
	s4 =	sshll.u32 s0, $0xA;
	s6 =	sshll.u32 s14, $0x9  }
0x4: {  	s2 =	simm.s32 $0x0;
	s1 =	rddreg [dreg:$0x3];
	s16 =	sor.u32 s6, s4  }
0x5: {  	[smem:$0x7FF] =	sst s2;
	s4 =	sshrl.u32 s16, $0x3  }
0x6: {  	_ =	strace $0x8000004A;
	s4 =	sadd.s32 s3, s4;
	s3 =	simm.s32 $0x2  }
0x7: {  	[tilespmem:s2], [sflag:$0x2] =	stream.linear.gather [hbm4b:s4+s2], $0x200, $0x38;
	[tilespmem:$0x10200] =	vst v63  }
0x8: {  	_ =	swait.ge [sflag:s3], $0x200  }
0x9: {  	s7 =	simm.s32 $0x200;
	[sflag:s3] =	ssyncset.done $0x0  }
0xa: {  	s5 =	sadd.s32 $0x20D400, s5;
	s6 =	simm.s32 $0x80;
	[sflag:s3] =	ssyncadd.s32 $0xFFFFFE00  }
0xb: {  	[tilespmem:s7], [sflag:$0x1] =	stream.indirect.gather [hbm4b:s5+s6], $0x80, s2, s6, $0xb8;
	[tilespmem:$0x10200] =	vst v63  }
0xc: {  	s8 =	simm.s32 $0x4200  }
0xd: {  	[tilespmem:s8], [sflag:$0x1] =	stream.indirect.gather [hbm4b:s5+s6], $0x80, s6, s6, $0xb8;
	[tilespmem:$0x10200] =	vst v63  }
0xe: {  	s9 =	simm.s32 $0x100;
	s10 =	simm.s32 $0x8200  }
0xf: {  	[tilespmem:s10], [sflag:$0x1] =	stream.indirect.gather [hbm4b:s5+s6], $0x80, s9, s6, $0xb8;
	[tilespmem:$0x10200] =	vst v63  }
0x10: {  	s11 =	simm.s32 $0x180;
	s12 =	simm.s32 $0xC200;
	s13 =	simm.s32 $0x1  }
0x11: {  	[tilespmem:s12], [sflag:$0x1] =	stream.indirect.gather [hbm4b:s5+s6], $0x80, s11, s6, $0xb8;
	[tilespmem:$0x10200] =	vst v63  }
0x12: {  	_ =	swait.ge [sflag:s13], $0x4000  }
0x13: {  	[sflag:s13] =	ssyncset.done $0x0  }
0x14: {  	[sflag:s13] =	ssyncadd.s32 $0xFFFFC000  }
0x15: {  	_ =	swait.ge [sflag:s13], $0x4000  }
0x16: {  	[sflag:s13] =	ssyncset.done $0x0  }
0x17: {  	s14 =	ssub.s32 $0x2, s14;
	[sflag:s13] =	ssyncadd.s32 $0xFFFFC000  }
0x18: {  	s17 =	sshrl.u32 s14, $0x1;
	_ =	swait.ge [sflag:s13], $0x4000  }
0x19: {  	s17 =	ssub.s32 s14, s17;
	[sflag:s13] =	ssyncset.done $0x0  }
0x1a: {  	s31 =	smax.u32 s17, $0x1;
	[sflag:s13] =	ssyncadd.s32 $0xFFFFC000  }
0x1b: {  	p0 =	sne.s32 s31, $0x1;
	_ =	swait.ge [sflag:s13], $0x4000  }
.Ltmp0:
0x1c: {  	s30 =	sshll.u32 s16, $0x4;
	[sflag:s13] =	ssyncset.done $0x0;
	(pc) =	sbr.rel @!p0 .LBB2_2-.Ltmp0, $4  }
0x1d: {  	s14 =	sadd.s32 s15, s30;
	[sflag:s13] =	ssyncadd.s32 $0xFFFFC000  }
0x1e: {  	[hbm4b:s14+s2] =	stream.linear.scatter [tilespmem:s7], [sflag:$0x2], $0x10000, $0x38;
	[tilespmem:$0x10200] =	vst v63  }
0x1f: {  	_ =	swait.ge [sflag:s3], $0x10000  }
0x20: {  	s15 =	sadd.s32 $0xFFFFFFFF, s31;
	[sflag:s3] =	ssyncset.done $0x0  }
.LBB2_1:
0x21: {  	p0 =	sne.s32 s15, $0x1;
	s15 =	sadd.s32 $0xFFFFFFFF, s15;
	[sflag:s3] =	ssyncadd.s32 $0xFFFF0000  }
0x22: {  	[tilespmem:s2], [sflag:$0x2] =	stream.linear.gather [hbm4b:s4+s2], $0x200, $0x38;
	[tilespmem:$0x10200] =	vst v63  }
0x23: {  	_ =	swait.ge [sflag:s3], $0x200  }
0x24: {  	[sflag:s3] =	ssyncset.done $0x0  }
0x25: {  	[sflag:s3] =	ssyncadd.s32 $0xFFFFFE00  }
0x26: {  	[tilespmem:s7], [sflag:$0x1] =	stream.indirect.gather [hbm4b:s5+s6], $0x80, s2, s6, $0xb8;
	[tilespmem:$0x10200] =	vst v63  }
0x27: {  	_ = 	snop  }
0x28: {  	[tilespmem:s8], [sflag:$0x1] =	stream.indirect.gather [hbm4b:s5+s6], $0x80, s6, s6, $0xb8;
	[tilespmem:$0x10200] =	vst v63  }
0x29: {  	_ = 	snop  }
0x2a: {  	[tilespmem:s10], [sflag:$0x1] =	stream.indirect.gather [hbm4b:s5+s6], $0x80, s9, s6, $0xb8;
	[tilespmem:$0x10200] =	vst v63  }
0x2b: {  	_ = 	snop  }
0x2c: {  	[tilespmem:s12], [sflag:$0x1] =	stream.indirect.gather [hbm4b:s5+s6], $0x80, s11, s6, $0xb8;
	[tilespmem:$0x10200] =	vst v63  }
0x2d: {  	_ =	swait.ge [sflag:s13], $0x4000  }
0x2e: {  	[sflag:s13] =	ssyncset.done $0x0  }
0x2f: {  	[sflag:s13] =	ssyncadd.s32 $0xFFFFC000  }
0x30: {  	_ =	swait.ge [sflag:s13], $0x4000  }
0x31: {  	[sflag:s13] =	ssyncset.done $0x0  }
0x32: {  	[sflag:s13] =	ssyncadd.s32 $0xFFFFC000  }
0x33: {  	_ =	swait.ge [sflag:s13], $0x4000  }
0x34: {  	[sflag:s13] =	ssyncset.done $0x0  }
0x35: {  	[sflag:s13] =	ssyncadd.s32 $0xFFFFC000  }
0x36: {  	_ =	swait.ge [sflag:s13], $0x4000  }
.Ltmp1:
0x37: {  	[sflag:s13] =	ssyncset.done $0x0;
	(pc) =	sbr.rel @p0 .LBB2_1-.Ltmp1, $4  }
0x38: {  	[sflag:s13] =	ssyncadd.s32 $0xFFFFC000  }
0x39: {  	[hbm4b:s14+s2] =	stream.linear.scatter [tilespmem:s7], [sflag:$0x2], $0x10000, $0x38;
	[tilespmem:$0x10200] =	vst v63  }
0x3a: {  	_ =	swait.ge [sflag:s3], $0x10000  }
0x3b: {  	[sflag:s3] =	ssyncset.done $0x0  }
.LBB2_2:
0x3c: {  	[sflag:s3] =	ssyncadd.s32 $0xFFFF0000  }
0x3d: {  	_ =	sfence.sel $0x180000  }
0x3e: {  	[bflag:$0x0] =	sbarrier.arrive $0xFFFF  }
0x3f: {  	p0 =	sne.s32 s0, $0x0;
	_ =	strace $0x9000004A  }
0x40: {  	s0 =	sadd.s32 @!p0 $0x100000, s1;
	[bflag:$0x2] =	sbarrier.arrive $0xFFFF  }
0x41: {  	[sflag:s0] =	ssyncadd.tile.s32 @!p0 $0x1;
	_ =	shalt  }
.Lfunc_end2:
_tile_overlayer_lowered:
.L_overlay_start_2:
0x42: {  	(tag) =	ssettag $0x2  }
0x43: {  	s0 =	rddreg [dreg:$0x0];
	s2 =	stileid.u32  }
0x44: {  	s1 =	rddreg [dreg:$0x1];
	p0 =	sne.s32 s2, $0x0  }
0x45: {  	s3 =	rddreg [dreg:$0x2];
	[bflag:$0x3] =	sbarrier.arrive $0xFFFF;
	s2 =	simm.s32 @!p0 $0x1C02  }
0x46: {  	[timem:s3], [sflag:s2] =	dma.local @!p0 [hbm:s0], s1  }
0x47: {  	s0 =	simm.s32 @!p0 $0x2  }
0x48: {  	_ =	swait.ge @!p0 [sflag:s0], s1  }
0x49: {  	s1 =	ssub.s32 @!p0 $0x0, s1;
	[sflag:s0] =	ssyncset.done @!p0 $0x0  }
0x4a: {  	[sflag:s0] =	ssyncadd.s32 @!p0 s1  }
0x4b: {  	[bflag:$0x3] =	sbarrier.arrive $0xFFFF  }
0x4c: {  	_ =	shalt  }

</sc_bundles>
